<compile_context>
chip_gen: v7x
topology: tpu7x:2x2x1
jax: 0.10.2.dev20260603
libtpu: 0.0.44.dev20260713+nightly
codegen_flags: <defaults>
</compile_context>

<pallas_src>
import functools

import jax
import jax.numpy as jnp
from jax import lax
from jax.experimental import pallas as pl
from jax.experimental.pallas import tpu as pltpu
from jax.experimental.pallas import tpu_sc as plsc

N_NODES = 10000
N_EDGES = 320000
D = 128

NC = 2
NS = 16
NW = NC * NS
NPAD = 10240
ROWS_PER_TILE = NPAD // NS
EPW = N_EDGES // NW
K = 80
CHUNKS = EPW // K
ZR = 64


def _worker_id():
  c = lax.axis_index("c")
  s = lax.axis_index("s")
  return c, s, s * NC + c


def _zero_fill_vmem(zbuf, nwords):
  zeros16 = jnp.zeros((16,), jnp.float32)

  def body(j, _):
    zbuf[pl.ds(j * 16, 16)] = zeros16
    return 0

  lax.fori_loop(0, nwords // 16, body, 0)


def _zero_fill_vmem_2d(zbuf, rows, cols):
  zeros16 = jnp.zeros((16,), jnp.float32)
  cpr = cols // 16

  def body(t, _):
    r = t // cpr
    c = lax.rem(t, cpr)
    zbuf[r, pl.ds(c * 16, 16)] = zeros16
    return 0

  lax.fori_loop(0, rows * cpr, body, 0)


def _sc_deg_body(rc_hbm, out_hbm, onesv, rcv, zbuf, deg_sh, sem):
  c, s, wid = _worker_id()

  _zero_fill_vmem(zbuf, ROWS_PER_TILE)
  pltpu.sync_copy(zbuf, deg_sh.at[pl.ds(s * ROWS_PER_TILE, ROWS_PER_TILE)])

  def fill_ones(j, _):
    onesv[pl.ds(j * 16, 16)] = jnp.ones((16,), jnp.float32)
    return 0

  lax.fori_loop(0, K // 16, fill_ones, 0)
  pltpu.sync_copy(rc_hbm.at[wid], rcv)
  plsc.subcore_barrier()

  def chunk(i, _):
    pltpu.sync_copy(onesv, deg_sh.at[rcv.at[i, 1]], add=True)
    return 0

  lax.fori_loop(0, CHUNKS, chunk, 0)
  plsc.subcore_barrier()

  pltpu.sync_copy(
      deg_sh.at[pl.ds(s * ROWS_PER_TILE, ROWS_PER_TILE)],
      out_hbm.at[c, pl.ds(s * ROWS_PER_TILE, ROWS_PER_TILE)],
  )


def _make_sc_deg():
  mesh = plsc.VectorSubcoreMesh(
      core_axis_name="c", subcore_axis_name="s", num_cores=NC, num_subcores=NS
  )
  return pl.kernel(
      _sc_deg_body,
      out_type=jax.ShapeDtypeStruct((NC, NPAD), jnp.float32),
      mesh=mesh,
      scratch_types=[
          pltpu.VMEM((K,), jnp.float32),
          pltpu.VMEM((CHUNKS, 2, K), jnp.int32),
          pltpu.VMEM((ROWS_PER_TILE,), jnp.float32),
          pltpu.VMEM_SHARED((NPAD,), jnp.float32),
          pltpu.SemaphoreType.DMA,
      ],
  )


def _sc_agg_body(rc_hbm, y_hbm, out_hbm, rcv0, rcv1, buf0, buf1,
                 zbuf, z_sh, sem0, sem1):
  c, s, wid = _worker_id()

  _zero_fill_vmem_2d(zbuf, ZR, D)

  def zslab(j, _):
    pltpu.sync_copy(zbuf, z_sh.at[pl.ds(s * ROWS_PER_TILE + j * ZR, ZR)])
    return 0

  lax.fori_loop(0, ROWS_PER_TILE // ZR, zslab, 0)
  plsc.subcore_barrier()

  pltpu.sync_copy(rc_hbm.at[wid, 0], rcv0)
  pltpu.async_copy(y_hbm.at[rcv0.at[0]], buf0, sem0)
  npairs = CHUNKS // 2

  def pair(j, _):
    e0 = 2 * j
    pltpu.sync_copy(rc_hbm.at[wid, e0 + 1], rcv1)
    pltpu.make_async_copy(y_hbm.at[rcv0.at[0]], buf0, sem0).wait()
    pltpu.async_copy(y_hbm.at[rcv1.at[0]], buf1, sem1)
    pltpu.sync_copy(buf0, z_sh.at[rcv0.at[1]], add=True)
    pltpu.sync_copy(rc_hbm.at[wid, e0 + 2], rcv0)
    pltpu.make_async_copy(y_hbm.at[rcv1.at[0]], buf1, sem1).wait()
    pltpu.async_copy(y_hbm.at[rcv0.at[0]], buf0, sem0)
    pltpu.sync_copy(buf1, z_sh.at[rcv1.at[1]], add=True)
    return 0

  lax.fori_loop(0, npairs, pair, 0)
  pltpu.make_async_copy(y_hbm.at[rcv0.at[0]], buf0, sem0).wait()
  pltpu.sync_copy(buf0, z_sh.at[rcv0.at[1]], add=True)
  plsc.subcore_barrier()

  pltpu.sync_copy(
      z_sh.at[pl.ds(s * ROWS_PER_TILE, ROWS_PER_TILE)],
      out_hbm.at[c, pl.ds(s * ROWS_PER_TILE, ROWS_PER_TILE)],
  )


def _make_sc_agg():
  mesh = plsc.VectorSubcoreMesh(
      core_axis_name="c", subcore_axis_name="s", num_cores=NC, num_subcores=NS
  )
  return pl.kernel(
      _sc_agg_body,
      out_type=jax.ShapeDtypeStruct((NC, NPAD, D), jnp.float32),
      mesh=mesh,
      scratch_types=[
          pltpu.VMEM((2, K), jnp.int32),
          pltpu.VMEM((2, K), jnp.int32),
          pltpu.VMEM((K, D), jnp.float32),
          pltpu.VMEM((K, D), jnp.float32),
          pltpu.VMEM((ZR, D), jnp.float32),
          pltpu.VMEM_SHARED((NPAD, D), jnp.float32),
          pltpu.SemaphoreType.DMA,
          pltpu.SemaphoreType.DMA,
      ],
  )


BR = 256


def _tc_mm_body(x_ref, w_ref, u_ref):
  u_ref[...] = jnp.dot(
      x_ref[...], w_ref[...], preferred_element_type=jnp.float32
  )


def _tc_mm(x, w):
  grid = (NPAD // BR,)
  return pl.pallas_call(
      _tc_mm_body,
      grid=grid,
      in_specs=[
          pl.BlockSpec((BR, D), lambda i: (i, 0)),
          pl.BlockSpec((D, D), lambda i: (0, 0)),
      ],
      out_specs=pl.BlockSpec((BR, D), lambda i: (i, 0)),
      out_shape=jax.ShapeDtypeStruct((NPAD, D), jnp.float32),
  )(x, w)


def _tc_scale_body(u_ref, d0_ref, d1_ref, ys_ref, dis_ref):
  dis = lax.rsqrt(d0_ref[...] + d1_ref[...] + 1.0)
  ys_ref[...] = u_ref[...] * dis
  dis_ref[...] = dis


def _tc_scale(u, d0, d1):
  grid = (NPAD // BR,)
  return pl.pallas_call(
      _tc_scale_body,
      grid=grid,
      in_specs=[
          pl.BlockSpec((BR, D), lambda i: (i, 0)),
          pl.BlockSpec((BR, 1), lambda i: (i, 0)),
          pl.BlockSpec((BR, 1), lambda i: (i, 0)),
      ],
      out_specs=[
          pl.BlockSpec((BR, D), lambda i: (i, 0)),
          pl.BlockSpec((BR, 1), lambda i: (i, 0)),
      ],
      out_shape=[
          jax.ShapeDtypeStruct((NPAD, D), jnp.float32),
          jax.ShapeDtypeStruct((NPAD, 1), jnp.float32),
      ],
  )(u, d0, d1)


def _tc_mid_body(p0_ref, p1_ref, ys_ref, dis_ref, b_ref, w_ref, out_ref):
  dis = dis_ref[...]
  z = (p0_ref[...] + p1_ref[...] + ys_ref[...]) * dis + b_ref[...]
  h = jnp.maximum(z, 0.0)
  out_ref[...] = (
      jnp.dot(h, w_ref[...], preferred_element_type=jnp.float32) * dis
  )


def _tc_mid(p0, p1, ys, dis, b, w):
  grid = (NPAD // BR,)
  return pl.pallas_call(
      _tc_mid_body,
      grid=grid,
      in_specs=[
          pl.BlockSpec((BR, D), lambda i: (i, 0)),
          pl.BlockSpec((BR, D), lambda i: (i, 0)),
          pl.BlockSpec((BR, D), lambda i: (i, 0)),
          pl.BlockSpec((BR, 1), lambda i: (i, 0)),
          pl.BlockSpec((1, D), lambda i: (0, 0)),
          pl.BlockSpec((D, D), lambda i: (0, 0)),
      ],
      out_specs=pl.BlockSpec((BR, D), lambda i: (i, 0)),
      out_shape=jax.ShapeDtypeStruct((NPAD, D), jnp.float32),
  )(p0, p1, ys, dis, b, w)


def _tc_last_body(q0_ref, q1_ref, ys_ref, dis_ref, b_ref, out_ref):
  out_ref[...] = (
      (q0_ref[...] + q1_ref[...] + ys_ref[...]) * dis_ref[...] + b_ref[...]
  )


def _tc_last(q0, q1, ys, dis, b):
  grid = (NPAD // BR,)
  return pl.pallas_call(
      _tc_last_body,
      grid=grid,
      in_specs=[
          pl.BlockSpec((BR, D), lambda i: (i, 0)),
          pl.BlockSpec((BR, D), lambda i: (i, 0)),
          pl.BlockSpec((BR, D), lambda i: (i, 0)),
          pl.BlockSpec((BR, 1), lambda i: (i, 0)),
          pl.BlockSpec((1, D), lambda i: (0, 0)),
      ],
      out_specs=pl.BlockSpec((BR, D), lambda i: (i, 0)),
      out_shape=jax.ShapeDtypeStruct((NPAD, D), jnp.float32),
  )(q0, q1, ys, dis, b)


@jax.jit
def _run(label_embedding, edge_index, W1, b1, W2, b2):
  rc = edge_index.reshape(2, NW, CHUNKS, K)
  rc = jnp.transpose(rc, (1, 2, 0, 3))

  x = jnp.zeros((NPAD, D), jnp.float32).at[:N_NODES].set(label_embedding)
  b1r = b1.reshape(1, D)
  b2r = b2.reshape(1, D)

  sc_deg = _make_sc_deg()
  sc_agg = _make_sc_agg()

  degp = sc_deg(rc)
  u1 = _tc_mm(x, W1)
  d0 = degp[0].reshape(NPAD, 1)
  d1 = degp[1].reshape(NPAD, 1)

  ys1, dis = _tc_scale(u1, d0, d1)
  p = sc_agg(rc, ys1)
  ys2 = _tc_mid(p[0], p[1], ys1, dis, b1r, W2)
  q = sc_agg(rc, ys2)
  out = _tc_last(q[0], q[1], ys2, dis, b2r)
  return out[:N_NODES]


def kernel(label_embedding, edge_index, W1, b1, W2, b2):
  return _run(label_embedding, edge_index, W1, b1, W2, b2)

# --- scband reference (transcript-rebuilt; emitter-appended) ---
"""Pipeline reference for scband-encoder-model-33363305955794 (READ-ONLY COPY).

The authoritative reference and input builder live on the scoring server;
editing this copy changes nothing except your own understanding.
"""

import jax, jax.numpy as jnp
import numpy as np

N = 10000      # num_label / n_nodes
E = 320000     # n_edges
D_IN = 128     # def_emb_dim
D_HID = 128    # gcnn_dim


def gcn_conv(x, edge_index, W, b):
    # Faithful PyG GCNConv: add self-loops, symmetric deg^{-1/2} normalization,
    # linear transform, scatter-add aggregation by dst, plus bias.
    n = x.shape[0]
    self_loops = jnp.arange(n, dtype=edge_index.dtype)
    row = jnp.concatenate([edge_index[0], self_loops])  # src
    col = jnp.concatenate([edge_index[1], self_loops])  # dst
    x = x @ W
    deg = jnp.zeros((n,), dtype=x.dtype).at[col].add(1.0)
    deg_inv_sqrt = jnp.where(deg > 0, 1.0 / jnp.sqrt(deg), 0.0)
    norm = deg_inv_sqrt[row] * deg_inv_sqrt[col]
    msg = x[row] * norm[:, None]
    out = jax.ops.segment_sum(msg, col, num_segments=n)
    return out + b


def setup_inputs(seed: int = 0) -> dict:
    key = jax.random.key(seed)
    k1, k2, k3, k4, k5, k6 = jax.random.split(key, 6)
    edge_index = jax.random.randint(k1, (2, E), 0, N, dtype=jnp.int32)
    label_embedding = jax.random.normal(k2, (N, D_IN), dtype=jnp.float32)
    W1 = jax.random.normal(k3, (D_IN, D_HID), dtype=jnp.float32) * (1.0 / np.sqrt(D_IN))
    b1 = jnp.zeros((D_HID,), dtype=jnp.float32)
    W2 = jax.random.normal(k4, (D_HID, D_HID), dtype=jnp.float32) * (1.0 / np.sqrt(D_HID))
    b2 = jnp.zeros((D_HID,), dtype=jnp.float32)
    return {"label_embedding": label_embedding, "edge_index": edge_index,
            "W1": W1, "b1": b1, "W2": W2, "b2": b2}


def reference(label_embedding, edge_index, W1, b1, W2, b2):
    # encoder_model.gcn_2layer: nonlinear(gcn1(emb, ei)) -> gcn2(., ei)
    node_emb = jax.nn.relu(gcn_conv(label_embedding, edge_index, W1, b1))
    return gcn_conv(node_emb, edge_index, W2, b2)

if __name__ == "__main__":
    import jax
    _d = setup_inputs()
    print(jax.jit(kernel)(*tuple(_d.values())))

</pallas_src>

<mosaic_0001>
#map = affine_map<(d0, d1) -> (0, 0, 0, 0)>
#map1 = affine_map<(d0, d1) -> (0, 0)>
#map2 = affine_map<(d0, d1) -> (0, 0, 0)>
module attributes {stable_mosaic.version = 14 : i64} {
  func.func @_sc_agg_body(%arg0: i32, %arg1: i32, %arg2: memref<32x125x2x80xi32, #tpu.memory_space<hbm>>, %arg3: memref<10240x128xf32, #tpu.memory_space<hbm>>, %arg4: memref<2x10240x128xf32, #tpu.memory_space<hbm>>, %arg5: memref<2x80xi32, #tpu.memory_space<vmem>>, %arg6: memref<2x80xi32, #tpu.memory_space<vmem>>, %arg7: memref<80x128xf32, #tpu.memory_space<vmem>>, %arg8: memref<80x128xf32, #tpu.memory_space<vmem>>, %arg9: memref<64x128xf32, #tpu.memory_space<vmem>>, %arg10: memref<10240x128xf32, #tpu.memory_space<vmem_shared>>, %arg11: memref<!tpu.dma_semaphore, #tpu.memory_space<semaphore_mem>>, %arg12: memref<!tpu.dma_semaphore, #tpu.memory_space<semaphore_mem>>) attributes {dimension_semantics = [#tpu.dimension_semantics<core_parallel>, #tpu.dimension_semantics<subcore_parallel>], iteration_bounds = array<i64: 2, 16>, scalar_prefetch = 0 : i64, scratch_operands = 8 : i64, tpu.core_type = #tpu.core_type<sc_vector_subcore>, window_params = [{transform_indices = #map}, {transform_indices = #map1}, {transform_indices = #map2}]} {
    %mul3A = arith.constant 2 : i32
    %mul3A_0 = arith.muli %arg1, %mul3A : i32
    %add3A = arith.addi %mul3A_0, %arg0 : i32
    %broadcast_in_dim3A = arith.constant 0.000000e+00 : f32
    %broadcast_in_dim3A_1 = vector.broadcast %broadcast_in_dim3A : f32 to vector<16xf32>
    %scan3A = arith.constant 0 : i32
    %scan3A_2 = arith.constant 0 : i32
    %scan3A_3 = arith.constant 512 : i32
    %scan3A_4 = arith.addi %scan3A_2, %scan3A_3 : i32
    %scan3A_5 = arith.constant 1 : i32
    %scan3A_6 = scf.for %scan3A_40 = %scan3A_2 to %scan3A_4 step %scan3A_5 iter_args(%scan3A_41 = %scan3A) -> (i32)  : i32 {
      %jit3A = arith.constant 8 : i32
      %div3A = arith.divsi %scan3A_40, %jit3A : i32
      %sign3A = arith.constant 0 : i32
      %sign3A_42 = arith.cmpi sgt, %scan3A_40, %sign3A : i32
      %sign3A_43 = arith.extui %sign3A_42 : i1 to i32
      %sign3A_44 = arith.constant 0 : i32
      %sign3A_45 = arith.cmpi slt, %scan3A_40, %sign3A_44 : i32
      %sign3A_46 = arith.extui %sign3A_45 : i1 to i32
      %sign3A_47 = arith.subi %sign3A_43, %sign3A_46 : i32
      %sign3A_48 = arith.constant 0 : i32
      %sign3A_49 = arith.cmpi sgt, %jit3A, %sign3A_48 : i32
      %sign3A_50 = arith.extui %sign3A_49 : i1 to i32
      %sign3A_51 = arith.constant 0 : i32
      %sign3A_52 = arith.cmpi slt, %jit3A, %sign3A_51 : i32
      %sign3A_53 = arith.extui %sign3A_52 : i1 to i32
      %sign3A_54 = arith.subi %sign3A_50, %sign3A_53 : i32
      %ne3A = arith.cmpi ne, %sign3A_47, %sign3A_54 : i32
      %rem3A = arith.remsi %scan3A_40, %jit3A : i32
      %ne3A_55 = arith.constant 0 : i32
      %ne3A_56 = arith.cmpi ne, %rem3A, %ne3A_55 : i32
      %and3A = arith.andi %ne3A, %ne3A_56 : i1
      %sub3A = arith.constant 1 : i32
      %sub3A_57 = arith.subi %div3A, %sub3A : i32
      %select_n3A = arith.select %and3A, %sub3A_57, %div3A : i32
      %rem3A_58 = arith.constant 8 : i32
      %rem3A_59 = arith.remsi %scan3A_40, %rem3A_58 : i32
      %mul3A_60 = arith.constant 16 : i32
      %mul3A_61 = arith.muli %rem3A_59, %mul3A_60 : i32
      %swap3A = arith.index_cast %select_n3A : i32 to index
      %swap3A_62 = arith.index_cast %mul3A_61 : i32 to index
      %swap3A_63 = tpu.vector_load %arg9[%swap3A, %swap3A_62] {strides = array<i32>} : memref<64x128xf32, #tpu.memory_space<vmem>>, vector<1x16xf32>,
      %swap3A_64 = vector.shape_cast %swap3A_63 : vector<1x16xf32> to vector<16xf32>
      %swap3A_65 = vector.shape_cast %broadcast_in_dim3A_1 : vector<16xf32> to vector<1x16xf32>
      tpu.vector_store %arg9[%swap3A, %swap3A_62], %swap3A_65 {strides = array<i32>} : memref<64x128xf32, #tpu.memory_space<vmem>>, vector<1x16xf32>,
      %scan3A_66 = arith.constant 0 : i32
      scf.yield %scan3A_66 : i32
    }
    %scan3A_7 = arith.constant 512 : i32
    %scan3A_8 = arith.constant 0 : i32
    %scan3A_9 = arith.constant 0 : i32
    %scan3A_10 = arith.constant 10 : i32
    %scan3A_11 = arith.addi %scan3A_9, %scan3A_10 : i32
    %scan3A_12 = arith.constant 1 : i32
    %scan3A_13 = scf.for %scan3A_40 = %scan3A_9 to %scan3A_11 step %scan3A_12 iter_args(%scan3A_41 = %scan3A_8) -> (i32)  : i32 {
      %mul3A_42 = arith.constant 640 : i32
      %mul3A_43 = arith.muli %arg1, %mul3A_42 : i32
      %mul3A_44 = arith.constant 64 : i32
      %mul3A_45 = arith.muli %scan3A_40, %mul3A_44 : i32
      %add3A_46 = arith.addi %mul3A_43, %mul3A_45 : i32
      "tpu.region"() ({
        %run_scoped3A_48 = tpu.sem_alloc : memref<!tpu.dma_semaphore, #tpu.memory_space<semaphore_mem>>
        %dma_start3A_49 = arith.constant 0 : i32
        %dma_start3A_50 = tpu.memref_slice %arg10[%add3A_46, %dma_start3A_49] : memref<10240x128xf32, #tpu.memory_space<vmem_shared>> -> memref<64x128xf32, #tpu.memory_space<vmem_shared>>
        %dma_start3A_51 = arith.constant 0 : i32
        %dma_start3A_52 = tpu.memref_slice %arg10[%add3A_46, %dma_start3A_51] : memref<10240x128xf32, #tpu.memory_space<vmem_shared>> -> memref<64x128xf32, #tpu.memory_space<vmem_shared>>
        tpu.enqueue_dma source(%arg9 : memref<64x128xf32, #tpu.memory_space<vmem>>) target(%dma_start3A_52 : memref<64x128xf32, #tpu.memory_space<vmem_shared>>) target_semaphore(%run_scoped3A_48 : memref<!tpu.dma_semaphore, #tpu.memory_space<semaphore_mem>>)
        %dma_wait3A_53 = arith.constant 0 : i32
        %dma_wait3A_54 = tpu.memref_slice %arg10[%add3A_46, %dma_wait3A_53] : memref<10240x128xf32, #tpu.memory_space<vmem_shared>> -> memref<64x128xf32, #tpu.memory_space<vmem_shared>>
        %dma_wait3A_55 = arith.constant 0 : i32
        %dma_wait3A_56 = tpu.memref_slice %arg10[%add3A_46, %dma_wait3A_55] : memref<10240x128xf32, #tpu.memory_space<vmem_shared>> -> memref<64x128xf32, #tpu.memory_space<vmem_shared>>
        tpu.wait_dma2 semaphore(%run_scoped3A_48 : memref<!tpu.dma_semaphore, #tpu.memory_space<semaphore_mem>>) src(%arg9 : memref<64x128xf32, #tpu.memory_space<vmem>>) dst(%dma_wait3A_56 : memref<64x128xf32, #tpu.memory_space<vmem_shared>>)
        tpu.yield
      }) : () -> ()
      %scan3A_47 = arith.constant 0 : i32
      scf.yield %scan3A_47 : i32
    }
    %scan3A_14 = arith.constant 10 : i32
    %barrier3A = arith.constant 0 : index
    tpu.barrier barrier_id(%barrier3A)
    %run_scoped3A = arith.constant 0 : i32
    "tpu.region"() ({
      %run_scoped3A_40 = tpu.sem_alloc : memref<!tpu.dma_semaphore, #tpu.memory_space<semaphore_mem>>
      %dma_start3A_41 = arith.constant 0 : i32
      %dma_start3A_42 = arith.constant 0 : i32
      %dma_start3A_43 = tpu.memref_slice %arg2[%add3A, %run_scoped3A, %dma_start3A_41, %dma_start3A_42] : memref<32x125x2x80xi32, #tpu.memory_space<hbm>> -> memref<1x1x2x80xi32, #tpu.memory_space<hbm>>
      %dma_start3A_44 = tpu.memref_squeeze %dma_start3A_43 : memref<1x1x2x80xi32, #tpu.memory_space<hbm>> -> memref<2x80xi32, #tpu.memory_space<hbm>>
      %dma_start3A_45 = arith.constant 0 : i32
      %dma_start3A_46 = arith.constant 0 : i32
      %dma_start3A_47 = tpu.memref_slice %arg2[%add3A, %run_scoped3A, %dma_start3A_45, %dma_start3A_46] : memref<32x125x2x80xi32, #tpu.memory_space<hbm>> -> memref<1x1x2x80xi32, #tpu.memory_space<hbm>>
      %dma_start3A_48 = tpu.memref_squeeze %dma_start3A_47 : memref<1x1x2x80xi32, #tpu.memory_space<hbm>> -> memref<2x80xi32, #tpu.memory_space<hbm>>
      tpu.enqueue_dma source(%dma_start3A_48 : memref<2x80xi32, #tpu.memory_space<hbm>>) target(%arg5 : memref<2x80xi32, #tpu.memory_space<vmem>>) target_semaphore(%run_scoped3A_40 : memref<!tpu.dma_semaphore, #tpu.memory_space<semaphore_mem>>)
      %dma_wait3A_49 = arith.constant 0 : i32
      %dma_wait3A_50 = arith.constant 0 : i32
      %dma_wait3A_51 = tpu.memref_slice %arg2[%add3A, %run_scoped3A, %dma_wait3A_49, %dma_wait3A_50] : memref<32x125x2x80xi32, #tpu.memory_space<hbm>> -> memref<1x1x2x80xi32, #tpu.memory_space<hbm>>
      %dma_wait3A_52 = tpu.memref_squeeze %dma_wait3A_51 : memref<1x1x2x80xi32, #tpu.memory_space<hbm>> -> memref<2x80xi32, #tpu.memory_space<hbm>>
      %dma_wait3A_53 = arith.constant 0 : i32
      %dma_wait3A_54 = arith.constant 0 : i32
      %dma_wait3A_55 = tpu.memref_slice %arg2[%add3A, %run_scoped3A, %dma_wait3A_53, %dma_wait3A_54] : memref<32x125x2x80xi32, #tpu.memory_space<hbm>> -> memref<1x1x2x80xi32, #tpu.memory_space<hbm>>
      %dma_wait3A_56 = tpu.memref_squeeze %dma_wait3A_55 : memref<1x1x2x80xi32, #tpu.memory_space<hbm>> -> memref<2x80xi32, #tpu.memory_space<hbm>>
      tpu.wait_dma2 semaphore(%run_scoped3A_40 : memref<!tpu.dma_semaphore, #tpu.memory_space<semaphore_mem>>) src(%dma_wait3A_56 : memref<2x80xi32, #tpu.memory_space<hbm>>) dst(%arg5 : memref<2x80xi32, #tpu.memory_space<vmem>>)
      tpu.yield
    }) : () -> ()
    %dma_start3A = arith.constant 0 : i32
    %dma_start3A_15 = arith.constant 0 : i32
    %dma_start3A_16 = tpu.memref_slice %arg5[%dma_start3A, %dma_start3A_15] : memref<2x80xi32, #tpu.memory_space<vmem>> -> memref<1x80xi32, #tpu.memory_space<vmem>>
    %dma_start3A_17 = tpu.memref_squeeze %dma_start3A_16 : memref<1x80xi32, #tpu.memory_space<vmem>> -> memref<80xi32, #tpu.memory_space<vmem>>
    %dma_start3A_18 = arith.constant 0 : i32
    %dma_start3A_19 = arith.constant 0 : i32
    %dma_start3A_20 = tpu.memref_slice %arg3[%dma_start3A_18, %dma_start3A_19] : memref<10240x128xf32, #tpu.memory_space<hbm>> -> memref<10240x128xf32, #tpu.memory_space<hbm>>
    tpu.enqueue_indirect_dma source(%dma_start3A_20 : memref<10240x128xf32, #tpu.memory_space<hbm>>) target(%arg7 : memref<80x128xf32, #tpu.memory_space<vmem>>) offsets(%dma_start3A_17 : memref<80xi32, #tpu.memory_space<vmem>>) semaphore(%arg11 : memref<!tpu.dma_semaphore, #tpu.memory_space<semaphore_mem>>)
    %scan3A_21 = arith.constant 0 : i32
    %scan3A_22 = arith.constant 0 : i32
    %scan3A_23 = arith.constant 62 : i32
    %scan3A_24 = arith.addi %scan3A_22, %scan3A_23 : i32
    %scan3A_25 = arith.constant 1 : i32
    %scan3A_26 = scf.for %scan3A_40 = %scan3A_22 to %scan3A_24 step %scan3A_25 iter_args(%scan3A_41 = %scan3A_21) -> (i32)  : i32 {
      %mul3A_42 = arith.constant 2 : i32
      %mul3A_43 = arith.muli %mul3A_42, %scan3A_40 : i32
      %add3A_44 = arith.constant 1 : i32
      %add3A_45 = arith.addi %mul3A_43, %add3A_44 : i32
      "tpu.region"() ({
        %run_scoped3A_79 = tpu.sem_alloc : memref<!tpu.dma_semaphore, #tpu.memory_space<semaphore_mem>>
        %dma_start3A_80 = arith.constant 0 : i32
        %dma_start3A_81 = arith.constant 0 : i32
        %dma_start3A_82 = tpu.memref_slice %arg2[%add3A, %add3A_45, %dma_start3A_80, %dma_start3A_81] : memref<32x125x2x80xi32, #tpu.memory_space<hbm>> -> memref<1x1x2x80xi32, #tpu.memory_space<hbm>>
        %dma_start3A_83 = tpu.memref_squeeze %dma_start3A_82 : memref<1x1x2x80xi32, #tpu.memory_space<hbm>> -> memref<2x80xi32, #tpu.memory_space<hbm>>
        %dma_start3A_84 = arith.constant 0 : i32
        %dma_start3A_85 = arith.constant 0 : i32
        %dma_start3A_86 = tpu.memref_slice %arg2[%add3A, %add3A_45, %dma_start3A_84, %dma_start3A_85] : memref<32x125x2x80xi32, #tpu.memory_space<hbm>> -> memref<1x1x2x80xi32, #tpu.memory_space<hbm>>
        %dma_start3A_87 = tpu.memref_squeeze %dma_start3A_86 : memref<1x1x2x80xi32, #tpu.memory_space<hbm>> -> memref<2x80xi32, #tpu.memory_space<hbm>>
        tpu.enqueue_dma source(%dma_start3A_87 : memref<2x80xi32, #tpu.memory_space<hbm>>) target(%arg6 : memref<2x80xi32, #tpu.memory_space<vmem>>) target_semaphore(%run_scoped3A_79 : memref<!tpu.dma_semaphore, #tpu.memory_space<semaphore_mem>>)
        %dma_wait3A_88 = arith.constant 0 : i32
        %dma_wait3A_89 = arith.constant 0 : i32
        %dma_wait3A_90 = tpu.memref_slice %arg2[%add3A, %add3A_45, %dma_wait3A_88, %dma_wait3A_89] : memref<32x125x2x80xi32, #tpu.memory_space<hbm>> -> memref<1x1x2x80xi32, #tpu.memory_space<hbm>>
        %dma_wait3A_91 = tpu.memref_squeeze %dma_wait3A_90 : memref<1x1x2x80xi32, #tpu.memory_space<hbm>> -> memref<2x80xi32, #tpu.memory_space<hbm>>
        %dma_wait3A_92 = arith.constant 0 : i32
        %dma_wait3A_93 = arith.constant 0 : i32
        %dma_wait3A_94 = tpu.memref_slice %arg2[%add3A, %add3A_45, %dma_wait3A_92, %dma_wait3A_93] : memref<32x125x2x80xi32, #tpu.memory_space<hbm>> -> memref<1x1x2x80xi32, #tpu.memory_space<hbm>>
        %dma_wait3A_95 = tpu.memref_squeeze %dma_wait3A_94 : memref<1x1x2x80xi32, #tpu.memory_space<hbm>> -> memref<2x80xi32, #tpu.memory_space<hbm>>
        tpu.wait_dma2 semaphore(%run_scoped3A_79 : memref<!tpu.dma_semaphore, #tpu.memory_space<semaphore_mem>>) src(%dma_wait3A_95 : memref<2x80xi32, #tpu.memory_space<hbm>>) dst(%arg6 : memref<2x80xi32, #tpu.memory_space<vmem>>)
        tpu.yield
      }) : () -> ()
      %dma_wait3A_46 = arith.constant 0 : i32
      %dma_wait3A_47 = arith.constant 0 : i32
      %dma_wait3A_48 = tpu.memref_slice %arg5[%dma_wait3A_46, %dma_wait3A_47] : memref<2x80xi32, #tpu.memory_space<vmem>> -> memref<1x80xi32, #tpu.memory_space<vmem>>
      %dma_wait3A_49 = tpu.memref_squeeze %dma_wait3A_48 : memref<1x80xi32, #tpu.memory_space<vmem>> -> memref<80xi32, #tpu.memory_space<vmem>>
      %dma_wait3A_50 = arith.constant 0 : i32
      %dma_wait3A_51 = arith.constant 0 : i32
      %dma_wait3A_52 = tpu.memref_slice %arg3[%dma_wait3A_50, %dma_wait3A_51] : memref<10240x128xf32, #tpu.memory_space<hbm>> -> memref<10240x128xf32, #tpu.memory_space<hbm>>
      tpu.wait_indirect_dma semaphore(%arg11 : memref<!tpu.dma_semaphore, #tpu.memory_space<semaphore_mem>>) src(%dma_wait3A_52 : memref<10240x128xf32, #tpu.memory_space<hbm>>) dst(%arg7 : memref<80x128xf32, #tpu.memory_space<vmem>>)
      %dma_start3A_53 = arith.constant 0 : i32
      %dma_start3A_54 = arith.constant 0 : i32
      %dma_start3A_55 = tpu.memref_slice %arg6[%dma_start3A_53, %dma_start3A_54] : memref<2x80xi32, #tpu.memory_space<vmem>> -> memref<1x80xi32, #tpu.memory_space<vmem>>
      %dma_start3A_56 = tpu.memref_squeeze %dma_start3A_55 : memref<1x80xi32, #tpu.memory_space<vmem>> -> memref<80xi32, #tpu.memory_space<vmem>>
      %dma_start3A_57 = arith.constant 0 : i32
      %dma_start3A_58 = arith.constant 0 : i32
      %dma_start3A_59 = tpu.memref_slice %arg3[%dma_start3A_57, %dma_start3A_58] : memref<10240x128xf32, #tpu.memory_space<hbm>> -> memref<10240x128xf32, #tpu.memory_space<hbm>>
      tpu.enqueue_indirect_dma source(%dma_start3A_59 : memref<10240x128xf32, #tpu.memory_space<hbm>>) target(%arg8 : memref<80x128xf32, #tpu.memory_space<vmem>>) offsets(%dma_start3A_56 : memref<80xi32, #tpu.memory_space<vmem>>) semaphore(%arg12 : memref<!tpu.dma_semaphore, #tpu.memory_space<semaphore_mem>>)
      %run_scoped3A_60 = arith.constant 1 : i32
      "tpu.region"() ({
        %run_scoped3A_79 = tpu.sem_alloc : memref<!tpu.dma_semaphore, #tpu.memory_space<semaphore_mem>>
        %dma_start3A_80 = arith.constant 0 : i32
        %dma_start3A_81 = tpu.memref_slice %arg5[%run_scoped3A_60, %dma_start3A_80] : memref<2x80xi32, #tpu.memory_space<vmem>> -> memref<1x80xi32, #tpu.memory_space<vmem>>
        %dma_start3A_82 = tpu.memref_squeeze %dma_start3A_81 : memref<1x80xi32, #tpu.memory_space<vmem>> -> memref<80xi32, #tpu.memory_space<vmem>>
        %dma_start3A_83 = arith.constant 0 : i32
        %dma_start3A_84 = arith.constant 0 : i32
        %dma_start3A_85 = tpu.memref_slice %arg10[%dma_start3A_83, %dma_start3A_84] : memref<10240x128xf32, #tpu.memory_space<vmem_shared>> -> memref<10240x128xf32, #tpu.memory_space<vmem_shared>>
        tpu.enqueue_indirect_dma source(%arg7 : memref<80x128xf32, #tpu.memory_space<vmem>>) target(%dma_start3A_85 : memref<10240x128xf32, #tpu.memory_space<vmem_shared>>) offsets(%dma_start3A_82 : memref<80xi32, #tpu.memory_space<vmem>>) semaphore(%run_scoped3A_79 : memref<!tpu.dma_semaphore, #tpu.memory_space<semaphore_mem>>) {add = true}
        %dma_wait3A_86 = arith.constant 0 : i32
        %dma_wait3A_87 = tpu.memref_slice %arg5[%run_scoped3A_60, %dma_wait3A_86] : memref<2x80xi32, #tpu.memory_space<vmem>> -> memref<1x80xi32, #tpu.memory_space<vmem>>
        %dma_wait3A_88 = tpu.memref_squeeze %dma_wait3A_87 : memref<1x80xi32, #tpu.memory_space<vmem>> -> memref<80xi32, #tpu.memory_space<vmem>>
        %dma_wait3A_89 = arith.constant 0 : i32
        %dma_wait3A_90 = arith.constant 0 : i32
        %dma_wait3A_91 = tpu.memref_slice %arg10[%dma_wait3A_89, %dma_wait3A_90] : memref<10240x128xf32, #tpu.memory_space<vmem_shared>> -> memref<10240x128xf32, #tpu.memory_space<vmem_shared>>
        tpu.wait_indirect_dma semaphore(%run_scoped3A_79 : memref<!tpu.dma_semaphore, #tpu.memory_space<semaphore_mem>>) src(%arg7 : memref<80x128xf32, #tpu.memory_space<vmem>>) dst(%dma_wait3A_91 : memref<10240x128xf32, #tpu.memory_space<vmem_shared>>)
        tpu.yield
      }) : () -> ()
      %add3A_61 = arith.constant 2 : i32
      %add3A_62 = arith.addi %mul3A_43, %add3A_61 : i32
      "tpu.region"() ({
        %run_scoped3A_79 = tpu.sem_alloc : memref<!tpu.dma_semaphore, #tpu.memory_space<semaphore_mem>>
        %dma_start3A_80 = arith.constant 0 : i32
        %dma_start3A_81 = arith.constant 0 : i32
        %dma_start3A_82 = tpu.memref_slice %arg2[%add3A, %add3A_62, %dma_start3A_80, %dma_start3A_81] : memref<32x125x2x80xi32, #tpu.memory_space<hbm>> -> memref<1x1x2x80xi32, #tpu.memory_space<hbm>>
        %dma_start3A_83 = tpu.memref_squeeze %dma_start3A_82 : memref<1x1x2x80xi32, #tpu.memory_space<hbm>> -> memref<2x80xi32, #tpu.memory_space<hbm>>
        %dma_start3A_84 = arith.constant 0 : i32
        %dma_start3A_85 = arith.constant 0 : i32
        %dma_start3A_86 = tpu.memref_slice %arg2[%add3A, %add3A_62, %dma_start3A_84, %dma_start3A_85] : memref<32x125x2x80xi32, #tpu.memory_space<hbm>> -> memref<1x1x2x80xi32, #tpu.memory_space<hbm>>
        %dma_start3A_87 = tpu.memref_squeeze %dma_start3A_86 : memref<1x1x2x80xi32, #tpu.memory_space<hbm>> -> memref<2x80xi32, #tpu.memory_space<hbm>>
        tpu.enqueue_dma source(%dma_start3A_87 : memref<2x80xi32, #tpu.memory_space<hbm>>) target(%arg5 : memref<2x80xi32, #tpu.memory_space<vmem>>) target_semaphore(%run_scoped3A_79 : memref<!tpu.dma_semaphore, #tpu.memory_space<semaphore_mem>>)
        %dma_wait3A_88 = arith.constant 0 : i32
        %dma_wait3A_89 = arith.constant 0 : i32
        %dma_wait3A_90 = tpu.memref_slice %arg2[%add3A, %add3A_62, %dma_wait3A_88, %dma_wait3A_89] : memref<32x125x2x80xi32, #tpu.memory_space<hbm>> -> memref<1x1x2x80xi32, #tpu.memory_space<hbm>>
        %dma_wait3A_91 = tpu.memref_squeeze %dma_wait3A_90 : memref<1x1x2x80xi32, #tpu.memory_space<hbm>> -> memref<2x80xi32, #tpu.memory_space<hbm>>
        %dma_wait3A_92 = arith.constant 0 : i32
        %dma_wait3A_93 = arith.constant 0 : i32
        %dma_wait3A_94 = tpu.memref_slice %arg2[%add3A, %add3A_62, %dma_wait3A_92, %dma_wait3A_93] : memref<32x125x2x80xi32, #tpu.memory_space<hbm>> -> memref<1x1x2x80xi32, #tpu.memory_space<hbm>>
        %dma_wait3A_95 = tpu.memref_squeeze %dma_wait3A_94 : memref<1x1x2x80xi32, #tpu.memory_space<hbm>> -> memref<2x80xi32, #tpu.memory_space<hbm>>
        tpu.wait_dma2 semaphore(%run_scoped3A_79 : memref<!tpu.dma_semaphore, #tpu.memory_space<semaphore_mem>>) src(%dma_wait3A_95 : memref<2x80xi32, #tpu.memory_space<hbm>>) dst(%arg5 : memref<2x80xi32, #tpu.memory_space<vmem>>)
        tpu.yield
      }) : () -> ()
      %dma_wait3A_63 = arith.constant 0 : i32
      %dma_wait3A_64 = arith.constant 0 : i32
      %dma_wait3A_65 = tpu.memref_slice %arg6[%dma_wait3A_63, %dma_wait3A_64] : memref<2x80xi32, #tpu.memory_space<vmem>> -> memref<1x80xi32, #tpu.memory_space<vmem>>
      %dma_wait3A_66 = tpu.memref_squeeze %dma_wait3A_65 : memref<1x80xi32, #tpu.memory_space<vmem>> -> memref<80xi32, #tpu.memory_space<vmem>>
      %dma_wait3A_67 = arith.constant 0 : i32
      %dma_wait3A_68 = arith.constant 0 : i32
      %dma_wait3A_69 = tpu.memref_slice %arg3[%dma_wait3A_67, %dma_wait3A_68] : memref<10240x128xf32, #tpu.memory_space<hbm>> -> memref<10240x128xf32, #tpu.memory_space<hbm>>
      tpu.wait_indirect_dma semaphore(%arg12 : memref<!tpu.dma_semaphore, #tpu.memory_space<semaphore_mem>>) src(%dma_wait3A_69 : memref<10240x128xf32, #tpu.memory_space<hbm>>) dst(%arg8 : memref<80x128xf32, #tpu.memory_space<vmem>>)
      %dma_start3A_70 = arith.constant 0 : i32
      %dma_start3A_71 = arith.constant 0 : i32
      %dma_start3A_72 = tpu.memref_slice %arg5[%dma_start3A_70, %dma_start3A_71] : memref<2x80xi32, #tpu.memory_space<vmem>> -> memref<1x80xi32, #tpu.memory_space<vmem>>
      %dma_start3A_73 = tpu.memref_squeeze %dma_start3A_72 : memref<1x80xi32, #tpu.memory_space<vmem>> -> memref<80xi32, #tpu.memory_space<vmem>>
      %dma_start3A_74 = arith.constant 0 : i32
      %dma_start3A_75 = arith.constant 0 : i32
      %dma_start3A_76 = tpu.memref_slice %arg3[%dma_start3A_74, %dma_start3A_75] : memref<10240x128xf32, #tpu.memory_space<hbm>> -> memref<10240x128xf32, #tpu.memory_space<hbm>>
      tpu.enqueue_indirect_dma source(%dma_start3A_76 : memref<10240x128xf32, #tpu.memory_space<hbm>>) target(%arg7 : memref<80x128xf32, #tpu.memory_space<vmem>>) offsets(%dma_start3A_73 : memref<80xi32, #tpu.memory_space<vmem>>) semaphore(%arg11 : memref<!tpu.dma_semaphore, #tpu.memory_space<semaphore_mem>>)
      %run_scoped3A_77 = arith.constant 1 : i32
      "tpu.region"() ({
        %run_scoped3A_79 = tpu.sem_alloc : memref<!tpu.dma_semaphore, #tpu.memory_space<semaphore_mem>>
        %dma_start3A_80 = arith.constant 0 : i32
        %dma_start3A_81 = tpu.memref_slice %arg6[%run_scoped3A_77, %dma_start3A_80] : memref<2x80xi32, #tpu.memory_space<vmem>> -> memref<1x80xi32, #tpu.memory_space<vmem>>
        %dma_start3A_82 = tpu.memref_squeeze %dma_start3A_81 : memref<1x80xi32, #tpu.memory_space<vmem>> -> memref<80xi32, #tpu.memory_space<vmem>>
        %dma_start3A_83 = arith.constant 0 : i32
        %dma_start3A_84 = arith.constant 0 : i32
        %dma_start3A_85 = tpu.memref_slice %arg10[%dma_start3A_83, %dma_start3A_84] : memref<10240x128xf32, #tpu.memory_space<vmem_shared>> -> memref<10240x128xf32, #tpu.memory_space<vmem_shared>>
        tpu.enqueue_indirect_dma source(%arg8 : memref<80x128xf32, #tpu.memory_space<vmem>>) target(%dma_start3A_85 : memref<10240x128xf32, #tpu.memory_space<vmem_shared>>) offsets(%dma_start3A_82 : memref<80xi32, #tpu.memory_space<vmem>>) semaphore(%run_scoped3A_79 : memref<!tpu.dma_semaphore, #tpu.memory_space<semaphore_mem>>) {add = true}
        %dma_wait3A_86 = arith.constant 0 : i32
        %dma_wait3A_87 = tpu.memref_slice %arg6[%run_scoped3A_77, %dma_wait3A_86] : memref<2x80xi32, #tpu.memory_space<vmem>> -> memref<1x80xi32, #tpu.memory_space<vmem>>
        %dma_wait3A_88 = tpu.memref_squeeze %dma_wait3A_87 : memref<1x80xi32, #tpu.memory_space<vmem>> -> memref<80xi32, #tpu.memory_space<vmem>>
        %dma_wait3A_89 = arith.constant 0 : i32
        %dma_wait3A_90 = arith.constant 0 : i32
        %dma_wait3A_91 = tpu.memref_slice %arg10[%dma_wait3A_89, %dma_wait3A_90] : memref<10240x128xf32, #tpu.memory_space<vmem_shared>> -> memref<10240x128xf32, #tpu.memory_space<vmem_shared>>
        tpu.wait_indirect_dma semaphore(%run_scoped3A_79 : memref<!tpu.dma_semaphore, #tpu.memory_space<semaphore_mem>>) src(%arg8 : memref<80x128xf32, #tpu.memory_space<vmem>>) dst(%dma_wait3A_91 : memref<10240x128xf32, #tpu.memory_space<vmem_shared>>)
        tpu.yield
      }) : () -> ()
      %scan3A_78 = arith.constant 0 : i32
      scf.yield %scan3A_78 : i32
    }
    %scan3A_27 = arith.constant 62 : i32
    %dma_wait3A = arith.constant 0 : i32
    %dma_wait3A_28 = arith.constant 0 : i32
    %dma_wait3A_29 = tpu.memref_slice %arg5[%dma_wait3A, %dma_wait3A_28] : memref<2x80xi32, #tpu.memory_space<vmem>> -> memref<1x80xi32, #tpu.memory_space<vmem>>
    %dma_wait3A_30 = tpu.memref_squeeze %dma_wait3A_29 : memref<1x80xi32, #tpu.memory_space<vmem>> -> memref<80xi32, #tpu.memory_space<vmem>>
    %dma_wait3A_31 = arith.constant 0 : i32
    %dma_wait3A_32 = arith.constant 0 : i32
    %dma_wait3A_33 = tpu.memref_slice %arg3[%dma_wait3A_31, %dma_wait3A_32] : memref<10240x128xf32, #tpu.memory_space<hbm>> -> memref<10240x128xf32, #tpu.memory_space<hbm>>
    tpu.wait_indirect_dma semaphore(%arg11 : memref<!tpu.dma_semaphore, #tpu.memory_space<semaphore_mem>>) src(%dma_wait3A_33 : memref<10240x128xf32, #tpu.memory_space<hbm>>) dst(%arg7 : memref<80x128xf32, #tpu.memory_space<vmem>>)
    %run_scoped3A_34 = arith.constant 1 : i32
    "tpu.region"() ({
      %run_scoped3A_40 = tpu.sem_alloc : memref<!tpu.dma_semaphore, #tpu.memory_space<semaphore_mem>>
      %dma_start3A_41 = arith.constant 0 : i32
      %dma_start3A_42 = tpu.memref_slice %arg5[%run_scoped3A_34, %dma_start3A_41] : memref<2x80xi32, #tpu.memory_space<vmem>> -> memref<1x80xi32, #tpu.memory_space<vmem>>
      %dma_start3A_43 = tpu.memref_squeeze %dma_start3A_42 : memref<1x80xi32, #tpu.memory_space<vmem>> -> memref<80xi32, #tpu.memory_space<vmem>>
      %dma_start3A_44 = arith.constant 0 : i32
      %dma_start3A_45 = arith.constant 0 : i32
      %dma_start3A_46 = tpu.memref_slice %arg10[%dma_start3A_44, %dma_start3A_45] : memref<10240x128xf32, #tpu.memory_space<vmem_shared>> -> memref<10240x128xf32, #tpu.memory_space<vmem_shared>>
      tpu.enqueue_indirect_dma source(%arg7 : memref<80x128xf32, #tpu.memory_space<vmem>>) target(%dma_start3A_46 : memref<10240x128xf32, #tpu.memory_space<vmem_shared>>) offsets(%dma_start3A_43 : memref<80xi32, #tpu.memory_space<vmem>>) semaphore(%run_scoped3A_40 : memref<!tpu.dma_semaphore, #tpu.memory_space<semaphore_mem>>) {add = true}
      %dma_wait3A_47 = arith.constant 0 : i32
      %dma_wait3A_48 = tpu.memref_slice %arg5[%run_scoped3A_34, %dma_wait3A_47] : memref<2x80xi32, #tpu.memory_space<vmem>> -> memref<1x80xi32, #tpu.memory_space<vmem>>
      %dma_wait3A_49 = tpu.memref_squeeze %dma_wait3A_48 : memref<1x80xi32, #tpu.memory_space<vmem>> -> memref<80xi32, #tpu.memory_space<vmem>>
      %dma_wait3A_50 = arith.constant 0 : i32
      %dma_wait3A_51 = arith.constant 0 : i32
      %dma_wait3A_52 = tpu.memref_slice %arg10[%dma_wait3A_50, %dma_wait3A_51] : memref<10240x128xf32, #tpu.memory_space<vmem_shared>> -> memref<10240x128xf32, #tpu.memory_space<vmem_shared>>
      tpu.wait_indirect_dma semaphore(%run_scoped3A_40 : memref<!tpu.dma_semaphore, #tpu.memory_space<semaphore_mem>>) src(%arg7 : memref<80x128xf32, #tpu.memory_space<vmem>>) dst(%dma_wait3A_52 : memref<10240x128xf32, #tpu.memory_space<vmem_shared>>)
      tpu.yield
    }) : () -> ()
    %barrier3A_35 = arith.constant 0 : index
    tpu.barrier barrier_id(%barrier3A_35)
    %mul3A_36 = arith.constant 640 : i32
    %mul3A_37 = arith.muli %arg1, %mul3A_36 : i32
    %mul3A_38 = arith.constant 640 : i32
    %mul3A_39 = arith.muli %arg1, %mul3A_38 : i32
    "tpu.region"() ({
      %run_scoped3A_40 = tpu.sem_alloc : memref<!tpu.dma_semaphore, #tpu.memory_space<semaphore_mem>>
      %dma_start3A_41 = arith.constant 0 : i32
      %dma_start3A_42 = tpu.memref_slice %arg4[%arg0, %mul3A_39, %dma_start3A_41] : memref<2x10240x128xf32, #tpu.memory_space<hbm>> -> memref<1x640x128xf32, #tpu.memory_space<hbm>>
      %dma_start3A_43 = tpu.memref_squeeze %dma_start3A_42 : memref<1x640x128xf32, #tpu.memory_space<hbm>> -> memref<640x128xf32, #tpu.memory_space<hbm>>
      %dma_start3A_44 = arith.constant 0 : i32
      %dma_start3A_45 = tpu.memref_slice %arg10[%mul3A_37, %dma_start3A_44] : memref<10240x128xf32, #tpu.memory_space<vmem_shared>> -> memref<640x128xf32, #tpu.memory_space<vmem_shared>>
      tpu.enqueue_dma source(%dma_start3A_45 : memref<640x128xf32, #tpu.memory_space<vmem_shared>>) target(%dma_start3A_43 : memref<640x128xf32, #tpu.memory_space<hbm>>) target_semaphore(%run_scoped3A_40 : memref<!tpu.dma_semaphore, #tpu.memory_space<semaphore_mem>>)
      %dma_wait3A_46 = arith.constant 0 : i32
      %dma_wait3A_47 = tpu.memref_slice %arg4[%arg0, %mul3A_39, %dma_wait3A_46] : memref<2x10240x128xf32, #tpu.memory_space<hbm>> -> memref<1x640x128xf32, #tpu.memory_space<hbm>>
      %dma_wait3A_48 = tpu.memref_squeeze %dma_wait3A_47 : memref<1x640x128xf32, #tpu.memory_space<hbm>> -> memref<640x128xf32, #tpu.memory_space<hbm>>
      %dma_wait3A_49 = arith.constant 0 : i32
      %dma_wait3A_50 = tpu.memref_slice %arg10[%mul3A_37, %dma_wait3A_49] : memref<10240x128xf32, #tpu.memory_space<vmem_shared>> -> memref<640x128xf32, #tpu.memory_space<vmem_shared>>
      tpu.wait_dma2 semaphore(%run_scoped3A_40 : memref<!tpu.dma_semaphore, #tpu.memory_space<semaphore_mem>>) src(%dma_wait3A_50 : memref<640x128xf32, #tpu.memory_space<vmem_shared>>) dst(%dma_wait3A_48 : memref<640x128xf32, #tpu.memory_space<hbm>>)
      tpu.yield
    }) : () -> ()
    return
  }
}

#map = affine_map<(d0, d1) -> (0, 0, 0, 0)>
#map1 = affine_map<(d0, d1) -> (0, 0)>
module attributes {stable_mosaic.version = 14 : i64} {
  func.func @_sc_deg_body(%arg0: i32, %arg1: i32, %arg2: memref<32x125x2x80xi32, #tpu.memory_space<hbm>>, %arg3: memref<2x10240xf32, #tpu.memory_space<hbm>>, %arg4: memref<80xf32, #tpu.memory_space<vmem>>, %arg5: memref<125x2x80xi32, #tpu.memory_space<vmem>>, %arg6: memref<640xf32, #tpu.memory_space<vmem>>, %arg7: memref<10240xf32, #tpu.memory_space<vmem_shared>>, %arg8: memref<!tpu.dma_semaphore, #tpu.memory_space<semaphore_mem>>) attributes {dimension_semantics = [#tpu.dimension_semantics<core_parallel>, #tpu.dimension_semantics<subcore_parallel>], iteration_bounds = array<i64: 2, 16>, scalar_prefetch = 0 : i64, scratch_operands = 5 : i64, tpu.core_type = #tpu.core_type<sc_vector_subcore>, window_params = [{transform_indices = #map}, {transform_indices = #map1}]} {
    %mul3A = arith.constant 2 : i32
    %mul3A_0 = arith.muli %arg1, %mul3A : i32
    %add3A = arith.addi %mul3A_0, %arg0 : i32
    %broadcast_in_dim3A = arith.constant 0.000000e+00 : f32
    %broadcast_in_dim3A_1 = vector.broadcast %broadcast_in_dim3A : f32 to vector<16xf32>
    %scan3A = arith.constant 0 : i32
    %scan3A_2 = arith.constant 0 : i32
    %scan3A_3 = arith.constant 40 : i32
    %scan3A_4 = arith.addi %scan3A_2, %scan3A_3 : i32
    %scan3A_5 = arith.constant 1 : i32
    %scan3A_6 = scf.for %scan3A_29 = %scan3A_2 to %scan3A_4 step %scan3A_5 iter_args(%scan3A_30 = %scan3A) -> (i32)  : i32 {
      %mul3A_31 = arith.constant 16 : i32
      %mul3A_32 = arith.muli %scan3A_29, %mul3A_31 : i32
      %swap3A = arith.index_cast %mul3A_32 : i32 to index
      %swap3A_33 = tpu.vector_load %arg6[%swap3A] {strides = array<i32>} : memref<640xf32, #tpu.memory_space<vmem>>, vector<16xf32>,
      %swap3A_34 = vector.shape_cast %swap3A_33 : vector<16xf32> to vector<16xf32>
      %swap3A_35 = vector.shape_cast %broadcast_in_dim3A_1 : vector<16xf32> to vector<16xf32>
      tpu.vector_store %arg6[%swap3A], %swap3A_35 {strides = array<i32>} : memref<640xf32, #tpu.memory_space<vmem>>, vector<16xf32>,
      %scan3A_36 = arith.constant 0 : i32
      scf.yield %scan3A_36 : i32
    }
    %scan3A_7 = arith.constant 40 : i32
    %mul3A_8 = arith.constant 640 : i32
    %mul3A_9 = arith.muli %arg1, %mul3A_8 : i32
    "tpu.region"() ({
      %run_scoped3A = tpu.sem_alloc : memref<!tpu.dma_semaphore, #tpu.memory_space<semaphore_mem>>
      %dma_start3A = tpu.memref_slice %arg7[%mul3A_9] : memref<10240xf32, #tpu.memory_space<vmem_shared>> -> memref<640xf32, #tpu.memory_space<vmem_shared>>
      %dma_start3A_29 = tpu.memref_slice %arg7[%mul3A_9] : memref<10240xf32, #tpu.memory_space<vmem_shared>> -> memref<640xf32, #tpu.memory_space<vmem_shared>>
      tpu.enqueue_dma source(%arg6 : memref<640xf32, #tpu.memory_space<vmem>>) target(%dma_start3A_29 : memref<640xf32, #tpu.memory_space<vmem_shared>>) target_semaphore(%run_scoped3A : memref<!tpu.dma_semaphore, #tpu.memory_space<semaphore_mem>>)
      %dma_wait3A = tpu.memref_slice %arg7[%mul3A_9] : memref<10240xf32, #tpu.memory_space<vmem_shared>> -> memref<640xf32, #tpu.memory_space<vmem_shared>>
      %dma_wait3A_30 = tpu.memref_slice %arg7[%mul3A_9] : memref<10240xf32, #tpu.memory_space<vmem_shared>> -> memref<640xf32, #tpu.memory_space<vmem_shared>>
      tpu.wait_dma2 semaphore(%run_scoped3A : memref<!tpu.dma_semaphore, #tpu.memory_space<semaphore_mem>>) src(%arg6 : memref<640xf32, #tpu.memory_space<vmem>>) dst(%dma_wait3A_30 : memref<640xf32, #tpu.memory_space<vmem_shared>>)
      tpu.yield
    }) : () -> ()
    %scan3A_10 = arith.constant 0 : i32
    %scan3A_11 = arith.constant 0 : i32
    %scan3A_12 = arith.constant 5 : i32
    %scan3A_13 = arith.addi %scan3A_11, %scan3A_12 : i32
    %scan3A_14 = arith.constant 1 : i32
    %scan3A_15 = scf.for %scan3A_29 = %scan3A_11 to %scan3A_13 step %scan3A_14 iter_args(%scan3A_30 = %scan3A_10) -> (i32)  : i32 {
      %broadcast_in_dim3A_31 = arith.constant 1.000000e+00 : f32
      %broadcast_in_dim3A_32 = vector.broadcast %broadcast_in_dim3A_31 : f32 to vector<16xf32>
      %mul3A_33 = arith.constant 16 : i32
      %mul3A_34 = arith.muli %scan3A_29, %mul3A_33 : i32
      %swap3A = arith.index_cast %mul3A_34 : i32 to index
      %swap3A_35 = tpu.vector_load %arg4[%swap3A] {strides = array<i32>} : memref<80xf32, #tpu.memory_space<vmem>>, vector<16xf32>,
      %swap3A_36 = vector.shape_cast %swap3A_35 : vector<16xf32> to vector<16xf32>
      %swap3A_37 = vector.shape_cast %broadcast_in_dim3A_32 : vector<16xf32> to vector<16xf32>
      tpu.vector_store %arg4[%swap3A], %swap3A_37 {strides = array<i32>} : memref<80xf32, #tpu.memory_space<vmem>>, vector<16xf32>,
      %scan3A_38 = arith.constant 0 : i32
      scf.yield %scan3A_38 : i32
    }
    %scan3A_16 = arith.constant 5 : i32
    "tpu.region"() ({
      %run_scoped3A = tpu.sem_alloc : memref<!tpu.dma_semaphore, #tpu.memory_space<semaphore_mem>>
      %dma_start3A = arith.constant 0 : i32
      %dma_start3A_29 = arith.constant 0 : i32
      %dma_start3A_30 = arith.constant 0 : i32
      %dma_start3A_31 = tpu.memref_slice %arg2[%add3A, %dma_start3A, %dma_start3A_29, %dma_start3A_30] : memref<32x125x2x80xi32, #tpu.memory_space<hbm>> -> memref<1x125x2x80xi32, #tpu.memory_space<hbm>>
      %dma_start3A_32 = tpu.memref_squeeze %dma_start3A_31 : memref<1x125x2x80xi32, #tpu.memory_space<hbm>> -> memref<125x2x80xi32, #tpu.memory_space<hbm>>
      %dma_start3A_33 = arith.constant 0 : i32
      %dma_start3A_34 = arith.constant 0 : i32
      %dma_start3A_35 = arith.constant 0 : i32
      %dma_start3A_36 = tpu.memref_slice %arg2[%add3A, %dma_start3A_33, %dma_start3A_34, %dma_start3A_35] : memref<32x125x2x80xi32, #tpu.memory_space<hbm>> -> memref<1x125x2x80xi32, #tpu.memory_space<hbm>>
      %dma_start3A_37 = tpu.memref_squeeze %dma_start3A_36 : memref<1x125x2x80xi32, #tpu.memory_space<hbm>> -> memref<125x2x80xi32, #tpu.memory_space<hbm>>
      tpu.enqueue_dma source(%dma_start3A_37 : memref<125x2x80xi32, #tpu.memory_space<hbm>>) target(%arg5 : memref<125x2x80xi32, #tpu.memory_space<vmem>>) target_semaphore(%run_scoped3A : memref<!tpu.dma_semaphore, #tpu.memory_space<semaphore_mem>>)
      %dma_wait3A = arith.constant 0 : i32
      %dma_wait3A_38 = arith.constant 0 : i32
      %dma_wait3A_39 = arith.constant 0 : i32
      %dma_wait3A_40 = tpu.memref_slice %arg2[%add3A, %dma_wait3A, %dma_wait3A_38, %dma_wait3A_39] : memref<32x125x2x80xi32, #tpu.memory_space<hbm>> -> memref<1x125x2x80xi32, #tpu.memory_space<hbm>>
      %dma_wait3A_41 = tpu.memref_squeeze %dma_wait3A_40 : memref<1x125x2x80xi32, #tpu.memory_space<hbm>> -> memref<125x2x80xi32, #tpu.memory_space<hbm>>
      %dma_wait3A_42 = arith.constant 0 : i32
      %dma_wait3A_43 = arith.constant 0 : i32
      %dma_wait3A_44 = arith.constant 0 : i32
      %dma_wait3A_45 = tpu.memref_slice %arg2[%add3A, %dma_wait3A_42, %dma_wait3A_43, %dma_wait3A_44] : memref<32x125x2x80xi32, #tpu.memory_space<hbm>> -> memref<1x125x2x80xi32, #tpu.memory_space<hbm>>
      %dma_wait3A_46 = tpu.memref_squeeze %dma_wait3A_45 : memref<1x125x2x80xi32, #tpu.memory_space<hbm>> -> memref<125x2x80xi32, #tpu.memory_space<hbm>>
      tpu.wait_dma2 semaphore(%run_scoped3A : memref<!tpu.dma_semaphore, #tpu.memory_space<semaphore_mem>>) src(%dma_wait3A_46 : memref<125x2x80xi32, #tpu.memory_space<hbm>>) dst(%arg5 : memref<125x2x80xi32, #tpu.memory_space<vmem>>)
      tpu.yield
    }) : () -> ()
    %barrier3A = arith.constant 0 : index
    tpu.barrier barrier_id(%barrier3A)
    %scan3A_17 = arith.constant 0 : i32
    %scan3A_18 = arith.constant 0 : i32
    %scan3A_19 = arith.constant 125 : i32
    %scan3A_20 = arith.addi %scan3A_18, %scan3A_19 : i32
    %scan3A_21 = arith.constant 1 : i32
    %scan3A_22 = scf.for %scan3A_29 = %scan3A_18 to %scan3A_20 step %scan3A_21 iter_args(%scan3A_30 = %scan3A_17) -> (i32)  : i32 {
      %run_scoped3A = arith.constant 1 : i32
      "tpu.region"() ({
        %run_scoped3A_32 = tpu.sem_alloc : memref<!tpu.dma_semaphore, #tpu.memory_space<semaphore_mem>>
        %dma_start3A = arith.constant 0 : i32
        %dma_start3A_33 = tpu.memref_slice %arg5[%scan3A_29, %run_scoped3A, %dma_start3A] : memref<125x2x80xi32, #tpu.memory_space<vmem>> -> memref<1x1x80xi32, #tpu.memory_space<vmem>>
        %dma_start3A_34 = tpu.memref_squeeze %dma_start3A_33 : memref<1x1x80xi32, #tpu.memory_space<vmem>> -> memref<80xi32, #tpu.memory_space<vmem>>
        %dma_start3A_35 = arith.constant 0 : i32
        %dma_start3A_36 = tpu.memref_slice %arg7[%dma_start3A_35] : memref<10240xf32, #tpu.memory_space<vmem_shared>> -> memref<10240xf32, #tpu.memory_space<vmem_shared>>
        tpu.enqueue_indirect_dma source(%arg4 : memref<80xf32, #tpu.memory_space<vmem>>) target(%dma_start3A_36 : memref<10240xf32, #tpu.memory_space<vmem_shared>>) offsets(%dma_start3A_34 : memref<80xi32, #tpu.memory_space<vmem>>) semaphore(%run_scoped3A_32 : memref<!tpu.dma_semaphore, #tpu.memory_space<semaphore_mem>>) {add = true}
        %dma_wait3A = arith.constant 0 : i32
        %dma_wait3A_37 = tpu.memref_slice %arg5[%scan3A_29, %run_scoped3A, %dma_wait3A] : memref<125x2x80xi32, #tpu.memory_space<vmem>> -> memref<1x1x80xi32, #tpu.memory_space<vmem>>
        %dma_wait3A_38 = tpu.memref_squeeze %dma_wait3A_37 : memref<1x1x80xi32, #tpu.memory_space<vmem>> -> memref<80xi32, #tpu.memory_space<vmem>>
        %dma_wait3A_39 = arith.constant 0 : i32
        %dma_wait3A_40 = tpu.memref_slice %arg7[%dma_wait3A_39] : memref<10240xf32, #tpu.memory_space<vmem_shared>> -> memref<10240xf32, #tpu.memory_space<vmem_shared>>
        tpu.wait_indirect_dma semaphore(%run_scoped3A_32 : memref<!tpu.dma_semaphore, #tpu.memory_space<semaphore_mem>>) src(%arg4 : memref<80xf32, #tpu.memory_space<vmem>>) dst(%dma_wait3A_40 : memref<10240xf32, #tpu.memory_space<vmem_shared>>)
        tpu.yield
      }) : () -> ()
      %scan3A_31 = arith.constant 0 : i32
      scf.yield %scan3A_31 : i32
    }
    %scan3A_23 = arith.constant 125 : i32
    %barrier3A_24 = arith.constant 0 : index
    tpu.barrier barrier_id(%barrier3A_24)
    %mul3A_25 = arith.constant 640 : i32
    %mul3A_26 = arith.muli %arg1, %mul3A_25 : i32
    %mul3A_27 = arith.constant 640 : i32
    %mul3A_28 = arith.muli %arg1, %mul3A_27 : i32
    "tpu.region"() ({
      %run_scoped3A = tpu.sem_alloc : memref<!tpu.dma_semaphore, #tpu.memory_space<semaphore_mem>>
      %dma_start3A = tpu.memref_slice %arg3[%arg0, %mul3A_28] : memref<2x10240xf32, #tpu.memory_space<hbm>> -> memref<1x640xf32, #tpu.memory_space<hbm>>
      %dma_start3A_29 = tpu.memref_squeeze %dma_start3A : memref<1x640xf32, #tpu.memory_space<hbm>> -> memref<640xf32, #tpu.memory_space<hbm>>
      %dma_start3A_30 = tpu.memref_slice %arg7[%mul3A_26] : memref<10240xf32, #tpu.memory_space<vmem_shared>> -> memref<640xf32, #tpu.memory_space<vmem_shared>>
      tpu.enqueue_dma source(%dma_start3A_30 : memref<640xf32, #tpu.memory_space<vmem_shared>>) target(%dma_start3A_29 : memref<640xf32, #tpu.memory_space<hbm>>) target_semaphore(%run_scoped3A : memref<!tpu.dma_semaphore, #tpu.memory_space<semaphore_mem>>)
      %dma_wait3A = tpu.memref_slice %arg3[%arg0, %mul3A_28] : memref<2x10240xf32, #tpu.memory_space<hbm>> -> memref<1x640xf32, #tpu.memory_space<hbm>>
      %dma_wait3A_31 = tpu.memref_squeeze %dma_wait3A : memref<1x640xf32, #tpu.memory_space<hbm>> -> memref<640xf32, #tpu.memory_space<hbm>>
      %dma_wait3A_32 = tpu.memref_slice %arg7[%mul3A_26] : memref<10240xf32, #tpu.memory_space<vmem_shared>> -> memref<640xf32, #tpu.memory_space<vmem_shared>>
      tpu.wait_dma2 semaphore(%run_scoped3A : memref<!tpu.dma_semaphore, #tpu.memory_space<semaphore_mem>>) src(%dma_wait3A_32 : memref<640xf32, #tpu.memory_space<vmem_shared>>) dst(%dma_wait3A_31 : memref<640xf32, #tpu.memory_space<hbm>>)
      tpu.yield
    }) : () -> ()
    return
  }
}

#map = affine_map<(d0, d1) -> (0, 0, 0, 0)>
#map1 = affine_map<(d0, d1) -> (0, 0)>
#map2 = affine_map<(d0, d1) -> (0, 0, 0)>
module attributes {stable_mosaic.version = 14 : i64} {
  func.func @_sc_agg_body(%arg0: i32, %arg1: i32, %arg2: memref<32x125x2x80xi32, #tpu.memory_space<hbm>>, %arg3: memref<10240x128xf32, #tpu.memory_space<hbm>>, %arg4: memref<2x10240x128xf32, #tpu.memory_space<hbm>>, %arg5: memref<2x80xi32, #tpu.memory_space<vmem>>, %arg6: memref<2x80xi32, #tpu.memory_space<vmem>>, %arg7: memref<80x128xf32, #tpu.memory_space<vmem>>, %arg8: memref<80x128xf32, #tpu.memory_space<vmem>>, %arg9: memref<64x128xf32, #tpu.memory_space<vmem>>, %arg10: memref<10240x128xf32, #tpu.memory_space<vmem_shared>>, %arg11: memref<!tpu.dma_semaphore, #tpu.memory_space<semaphore_mem>>, %arg12: memref<!tpu.dma_semaphore, #tpu.memory_space<semaphore_mem>>) attributes {dimension_semantics = [#tpu.dimension_semantics<core_parallel>, #tpu.dimension_semantics<subcore_parallel>], iteration_bounds = array<i64: 2, 16>, scalar_prefetch = 0 : i64, scratch_operands = 8 : i64, tpu.core_type = #tpu.core_type<sc_vector_subcore>, window_params = [{transform_indices = #map}, {transform_indices = #map1}, {transform_indices = #map2}]} {
    %mul3A = arith.constant 2 : i32
    %mul3A_0 = arith.muli %arg1, %mul3A : i32
    %add3A = arith.addi %mul3A_0, %arg0 : i32
    %broadcast_in_dim3A = arith.constant 0.000000e+00 : f32
    %broadcast_in_dim3A_1 = vector.broadcast %broadcast_in_dim3A : f32 to vector<16xf32>
    %scan3A = arith.constant 0 : i32
    %scan3A_2 = arith.constant 0 : i32
    %scan3A_3 = arith.constant 512 : i32
    %scan3A_4 = arith.addi %scan3A_2, %scan3A_3 : i32
    %scan3A_5 = arith.constant 1 : i32
    %scan3A_6 = scf.for %scan3A_40 = %scan3A_2 to %scan3A_4 step %scan3A_5 iter_args(%scan3A_41 = %scan3A) -> (i32)  : i32 {
      %jit3A = arith.constant 8 : i32
      %div3A = arith.divsi %scan3A_40, %jit3A : i32
      %sign3A = arith.constant 0 : i32
      %sign3A_42 = arith.cmpi sgt, %scan3A_40, %sign3A : i32
      %sign3A_43 = arith.extui %sign3A_42 : i1 to i32
      %sign3A_44 = arith.constant 0 : i32
      %sign3A_45 = arith.cmpi slt, %scan3A_40, %sign3A_44 : i32
      %sign3A_46 = arith.extui %sign3A_45 : i1 to i32
      %sign3A_47 = arith.subi %sign3A_43, %sign3A_46 : i32
      %sign3A_48 = arith.constant 0 : i32
      %sign3A_49 = arith.cmpi sgt, %jit3A, %sign3A_48 : i32
      %sign3A_50 = arith.extui %sign3A_49 : i1 to i32
      %sign3A_51 = arith.constant 0 : i32
      %sign3A_52 = arith.cmpi slt, %jit3A, %sign3A_51 : i32
      %sign3A_53 = arith.extui %sign3A_52 : i1 to i32
      %sign3A_54 = arith.subi %sign3A_50, %sign3A_53 : i32
      %ne3A = arith.cmpi ne, %sign3A_47, %sign3A_54 : i32
      %rem3A = arith.remsi %scan3A_40, %jit3A : i32
      %ne3A_55 = arith.constant 0 : i32
      %ne3A_56 = arith.cmpi ne, %rem3A, %ne3A_55 : i32
      %and3A = arith.andi %ne3A, %ne3A_56 : i1
      %sub3A = arith.constant 1 : i32
      %sub3A_57 = arith.subi %div3A, %sub3A : i32
      %select_n3A = arith.select %and3A, %sub3A_57, %div3A : i32
      %rem3A_58 = arith.constant 8 : i32
      %rem3A_59 = arith.remsi %scan3A_40, %rem3A_58 : i32
      %mul3A_60 = arith.constant 16 : i32
      %mul3A_61 = arith.muli %rem3A_59, %mul3A_60 : i32
      %swap3A = arith.index_cast %select_n3A : i32 to index
      %swap3A_62 = arith.index_cast %mul3A_61 : i32 to index
      %swap3A_63 = tpu.vector_load %arg9[%swap3A, %swap3A_62] {strides = array<i32>} : memref<64x128xf32, #tpu.memory_space<vmem>>, vector<1x16xf32>,
      %swap3A_64 = vector.shape_cast %swap3A_63 : vector<1x16xf32> to vector<16xf32>
      %swap3A_65 = vector.shape_cast %broadcast_in_dim3A_1 : vector<16xf32> to vector<1x16xf32>
      tpu.vector_store %arg9[%swap3A, %swap3A_62], %swap3A_65 {strides = array<i32>} : memref<64x128xf32, #tpu.memory_space<vmem>>, vector<1x16xf32>,
      %scan3A_66 = arith.constant 0 : i32
      scf.yield %scan3A_66 : i32
    }
    %scan3A_7 = arith.constant 512 : i32
    %scan3A_8 = arith.constant 0 : i32
    %scan3A_9 = arith.constant 0 : i32
    %scan3A_10 = arith.constant 10 : i32
    %scan3A_11 = arith.addi %scan3A_9, %scan3A_10 : i32
    %scan3A_12 = arith.constant 1 : i32
    %scan3A_13 = scf.for %scan3A_40 = %scan3A_9 to %scan3A_11 step %scan3A_12 iter_args(%scan3A_41 = %scan3A_8) -> (i32)  : i32 {
      %mul3A_42 = arith.constant 640 : i32
      %mul3A_43 = arith.muli %arg1, %mul3A_42 : i32
      %mul3A_44 = arith.constant 64 : i32
      %mul3A_45 = arith.muli %scan3A_40, %mul3A_44 : i32
      %add3A_46 = arith.addi %mul3A_43, %mul3A_45 : i32
      "tpu.region"() ({
        %run_scoped3A_48 = tpu.sem_alloc : memref<!tpu.dma_semaphore, #tpu.memory_space<semaphore_mem>>
        %dma_start3A_49 = arith.constant 0 : i32
        %dma_start3A_50 = tpu.memref_slice %arg10[%add3A_46, %dma_start3A_49] : memref<10240x128xf32, #tpu.memory_space<vmem_shared>> -> memref<64x128xf32, #tpu.memory_space<vmem_shared>>
        %dma_start3A_51 = arith.constant 0 : i32
        %dma_start3A_52 = tpu.memref_slice %arg10[%add3A_46, %dma_start3A_51] : memref<10240x128xf32, #tpu.memory_space<vmem_shared>> -> memref<64x128xf32, #tpu.memory_space<vmem_shared>>
        tpu.enqueue_dma source(%arg9 : memref<64x128xf32, #tpu.memory_space<vmem>>) target(%dma_start3A_52 : memref<64x128xf32, #tpu.memory_space<vmem_shared>>) target_semaphore(%run_scoped3A_48 : memref<!tpu.dma_semaphore, #tpu.memory_space<semaphore_mem>>)
        %dma_wait3A_53 = arith.constant 0 : i32
        %dma_wait3A_54 = tpu.memref_slice %arg10[%add3A_46, %dma_wait3A_53] : memref<10240x128xf32, #tpu.memory_space<vmem_shared>> -> memref<64x128xf32, #tpu.memory_space<vmem_shared>>
        %dma_wait3A_55 = arith.constant 0 : i32
        %dma_wait3A_56 = tpu.memref_slice %arg10[%add3A_46, %dma_wait3A_55] : memref<10240x128xf32, #tpu.memory_space<vmem_shared>> -> memref<64x128xf32, #tpu.memory_space<vmem_shared>>
        tpu.wait_dma2 semaphore(%run_scoped3A_48 : memref<!tpu.dma_semaphore, #tpu.memory_space<semaphore_mem>>) src(%arg9 : memref<64x128xf32, #tpu.memory_space<vmem>>) dst(%dma_wait3A_56 : memref<64x128xf32, #tpu.memory_space<vmem_shared>>)
        tpu.yield
      }) : () -> ()
      %scan3A_47 = arith.constant 0 : i32
      scf.yield %scan3A_47 : i32
    }
    %scan3A_14 = arith.constant 10 : i32
    %barrier3A = arith.constant 0 : index
    tpu.barrier barrier_id(%barrier3A)
    %run_scoped3A = arith.constant 0 : i32
    "tpu.region"() ({
      %run_scoped3A_40 = tpu.sem_alloc : memref<!tpu.dma_semaphore, #tpu.memory_space<semaphore_mem>>
      %dma_start3A_41 = arith.constant 0 : i32
      %dma_start3A_42 = arith.constant 0 : i32
      %dma_start3A_43 = tpu.memref_slice %arg2[%add3A, %run_scoped3A, %dma_start3A_41, %dma_start3A_42] : memref<32x125x2x80xi32, #tpu.memory_space<hbm>> -> memref<1x1x2x80xi32, #tpu.memory_space<hbm>>
      %dma_start3A_44 = tpu.memref_squeeze %dma_start3A_43 : memref<1x1x2x80xi32, #tpu.memory_space<hbm>> -> memref<2x80xi32, #tpu.memory_space<hbm>>
      %dma_start3A_45 = arith.constant 0 : i32
      %dma_start3A_46 = arith.constant 0 : i32
      %dma_start3A_47 = tpu.memref_slice %arg2[%add3A, %run_scoped3A, %dma_start3A_45, %dma_start3A_46] : memref<32x125x2x80xi32, #tpu.memory_space<hbm>> -> memref<1x1x2x80xi32, #tpu.memory_space<hbm>>
      %dma_start3A_48 = tpu.memref_squeeze %dma_start3A_47 : memref<1x1x2x80xi32, #tpu.memory_space<hbm>> -> memref<2x80xi32, #tpu.memory_space<hbm>>
      tpu.enqueue_dma source(%dma_start3A_48 : memref<2x80xi32, #tpu.memory_space<hbm>>) target(%arg5 : memref<2x80xi32, #tpu.memory_space<vmem>>) target_semaphore(%run_scoped3A_40 : memref<!tpu.dma_semaphore, #tpu.memory_space<semaphore_mem>>)
      %dma_wait3A_49 = arith.constant 0 : i32
      %dma_wait3A_50 = arith.constant 0 : i32
      %dma_wait3A_51 = tpu.memref_slice %arg2[%add3A, %run_scoped3A, %dma_wait3A_49, %dma_wait3A_50] : memref<32x125x2x80xi32, #tpu.memory_space<hbm>> -> memref<1x1x2x80xi32, #tpu.memory_space<hbm>>
      %dma_wait3A_52 = tpu.memref_squeeze %dma_wait3A_51 : memref<1x1x2x80xi32, #tpu.memory_space<hbm>> -> memref<2x80xi32, #tpu.memory_space<hbm>>
      %dma_wait3A_53 = arith.constant 0 : i32
      %dma_wait3A_54 = arith.constant 0 : i32
      %dma_wait3A_55 = tpu.memref_slice %arg2[%add3A, %run_scoped3A, %dma_wait3A_53, %dma_wait3A_54] : memref<32x125x2x80xi32, #tpu.memory_space<hbm>> -> memref<1x1x2x80xi32, #tpu.memory_space<hbm>>
      %dma_wait3A_56 = tpu.memref_squeeze %dma_wait3A_55 : memref<1x1x2x80xi32, #tpu.memory_space<hbm>> -> memref<2x80xi32, #tpu.memory_space<hbm>>
      tpu.wait_dma2 semaphore(%run_scoped3A_40 : memref<!tpu.dma_semaphore, #tpu.memory_space<semaphore_mem>>) src(%dma_wait3A_56 : memref<2x80xi32, #tpu.memory_space<hbm>>) dst(%arg5 : memref<2x80xi32, #tpu.memory_space<vmem>>)
      tpu.yield
    }) : () -> ()
    %dma_start3A = arith.constant 0 : i32
    %dma_start3A_15 = arith.constant 0 : i32
    %dma_start3A_16 = tpu.memref_slice %arg5[%dma_start3A, %dma_start3A_15] : memref<2x80xi32, #tpu.memory_space<vmem>> -> memref<1x80xi32, #tpu.memory_space<vmem>>
    %dma_start3A_17 = tpu.memref_squeeze %dma_start3A_16 : memref<1x80xi32, #tpu.memory_space<vmem>> -> memref<80xi32, #tpu.memory_space<vmem>>
    %dma_start3A_18 = arith.constant 0 : i32
    %dma_start3A_19 = arith.constant 0 : i32
    %dma_start3A_20 = tpu.memref_slice %arg3[%dma_start3A_18, %dma_start3A_19] : memref<10240x128xf32, #tpu.memory_space<hbm>> -> memref<10240x128xf32, #tpu.memory_space<hbm>>
    tpu.enqueue_indirect_dma source(%dma_start3A_20 : memref<10240x128xf32, #tpu.memory_space<hbm>>) target(%arg7 : memref<80x128xf32, #tpu.memory_space<vmem>>) offsets(%dma_start3A_17 : memref<80xi32, #tpu.memory_space<vmem>>) semaphore(%arg11 : memref<!tpu.dma_semaphore, #tpu.memory_space<semaphore_mem>>)
    %scan3A_21 = arith.constant 0 : i32
    %scan3A_22 = arith.constant 0 : i32
    %scan3A_23 = arith.constant 62 : i32
    %scan3A_24 = arith.addi %scan3A_22, %scan3A_23 : i32
    %scan3A_25 = arith.constant 1 : i32
    %scan3A_26 = scf.for %scan3A_40 = %scan3A_22 to %scan3A_24 step %scan3A_25 iter_args(%scan3A_41 = %scan3A_21) -> (i32)  : i32 {
      %mul3A_42 = arith.constant 2 : i32
      %mul3A_43 = arith.muli %mul3A_42, %scan3A_40 : i32
      %add3A_44 = arith.constant 1 : i32
      %add3A_45 = arith.addi %mul3A_43, %add3A_44 : i32
      "tpu.region"() ({
        %run_scoped3A_79 = tpu.sem_alloc : memref<!tpu.dma_semaphore, #tpu.memory_space<semaphore_mem>>
        %dma_start3A_80 = arith.constant 0 : i32
        %dma_start3A_81 = arith.constant 0 : i32
        %dma_start3A_82 = tpu.memref_slice %arg2[%add3A, %add3A_45, %dma_start3A_80, %dma_start3A_81] : memref<32x125x2x80xi32, #tpu.memory_space<hbm>> -> memref<1x1x2x80xi32, #tpu.memory_space<hbm>>
        %dma_start3A_83 = tpu.memref_squeeze %dma_start3A_82 : memref<1x1x2x80xi32, #tpu.memory_space<hbm>> -> memref<2x80xi32, #tpu.memory_space<hbm>>
        %dma_start3A_84 = arith.constant 0 : i32
        %dma_start3A_85 = arith.constant 0 : i32
        %dma_start3A_86 = tpu.memref_slice %arg2[%add3A, %add3A_45, %dma_start3A_84, %dma_start3A_85] : memref<32x125x2x80xi32, #tpu.memory_space<hbm>> -> memref<1x1x2x80xi32, #tpu.memory_space<hbm>>
        %dma_start3A_87 = tpu.memref_squeeze %dma_start3A_86 : memref<1x1x2x80xi32, #tpu.memory_space<hbm>> -> memref<2x80xi32, #tpu.memory_space<hbm>>
        tpu.enqueue_dma source(%dma_start3A_87 : memref<2x80xi32, #tpu.memory_space<hbm>>) target(%arg6 : memref<2x80xi32, #tpu.memory_space<vmem>>) target_semaphore(%run_scoped3A_79 : memref<!tpu.dma_semaphore, #tpu.memory_space<semaphore_mem>>)
        %dma_wait3A_88 = arith.constant 0 : i32
        %dma_wait3A_89 = arith.constant 0 : i32
        %dma_wait3A_90 = tpu.memref_slice %arg2[%add3A, %add3A_45, %dma_wait3A_88, %dma_wait3A_89] : memref<32x125x2x80xi32, #tpu.memory_space<hbm>> -> memref<1x1x2x80xi32, #tpu.memory_space<hbm>>
        %dma_wait3A_91 = tpu.memref_squeeze %dma_wait3A_90 : memref<1x1x2x80xi32, #tpu.memory_space<hbm>> -> memref<2x80xi32, #tpu.memory_space<hbm>>
        %dma_wait3A_92 = arith.constant 0 : i32
        %dma_wait3A_93 = arith.constant 0 : i32
        %dma_wait3A_94 = tpu.memref_slice %arg2[%add3A, %add3A_45, %dma_wait3A_92, %dma_wait3A_93] : memref<32x125x2x80xi32, #tpu.memory_space<hbm>> -> memref<1x1x2x80xi32, #tpu.memory_space<hbm>>
        %dma_wait3A_95 = tpu.memref_squeeze %dma_wait3A_94 : memref<1x1x2x80xi32, #tpu.memory_space<hbm>> -> memref<2x80xi32, #tpu.memory_space<hbm>>
        tpu.wait_dma2 semaphore(%run_scoped3A_79 : memref<!tpu.dma_semaphore, #tpu.memory_space<semaphore_mem>>) src(%dma_wait3A_95 : memref<2x80xi32, #tpu.memory_space<hbm>>) dst(%arg6 : memref<2x80xi32, #tpu.memory_space<vmem>>)
        tpu.yield
      }) : () -> ()
      %dma_wait3A_46 = arith.constant 0 : i32
      %dma_wait3A_47 = arith.constant 0 : i32
      %dma_wait3A_48 = tpu.memref_slice %arg5[%dma_wait3A_46, %dma_wait3A_47] : memref<2x80xi32, #tpu.memory_space<vmem>> -> memref<1x80xi32, #tpu.memory_space<vmem>>
      %dma_wait3A_49 = tpu.memref_squeeze %dma_wait3A_48 : memref<1x80xi32, #tpu.memory_space<vmem>> -> memref<80xi32, #tpu.memory_space<vmem>>
      %dma_wait3A_50 = arith.constant 0 : i32
      %dma_wait3A_51 = arith.constant 0 : i32
      %dma_wait3A_52 = tpu.memref_slice %arg3[%dma_wait3A_50, %dma_wait3A_51] : memref<10240x128xf32, #tpu.memory_space<hbm>> -> memref<10240x128xf32, #tpu.memory_space<hbm>>
      tpu.wait_indirect_dma semaphore(%arg11 : memref<!tpu.dma_semaphore, #tpu.memory_space<semaphore_mem>>) src(%dma_wait3A_52 : memref<10240x128xf32, #tpu.memory_space<hbm>>) dst(%arg7 : memref<80x128xf32, #tpu.memory_space<vmem>>)
      %dma_start3A_53 = arith.constant 0 : i32
      %dma_start3A_54 = arith.constant 0 : i32
      %dma_start3A_55 = tpu.memref_slice %arg6[%dma_start3A_53, %dma_start3A_54] : memref<2x80xi32, #tpu.memory_space<vmem>> -> memref<1x80xi32, #tpu.memory_space<vmem>>
      %dma_start3A_56 = tpu.memref_squeeze %dma_start3A_55 : memref<1x80xi32, #tpu.memory_space<vmem>> -> memref<80xi32, #tpu.memory_space<vmem>>
      %dma_start3A_57 = arith.constant 0 : i32
      %dma_start3A_58 = arith.constant 0 : i32
      %dma_start3A_59 = tpu.memref_slice %arg3[%dma_start3A_57, %dma_start3A_58] : memref<10240x128xf32, #tpu.memory_space<hbm>> -> memref<10240x128xf32, #tpu.memory_space<hbm>>
      tpu.enqueue_indirect_dma source(%dma_start3A_59 : memref<10240x128xf32, #tpu.memory_space<hbm>>) target(%arg8 : memref<80x128xf32, #tpu.memory_space<vmem>>) offsets(%dma_start3A_56 : memref<80xi32, #tpu.memory_space<vmem>>) semaphore(%arg12 : memref<!tpu.dma_semaphore, #tpu.memory_space<semaphore_mem>>)
      %run_scoped3A_60 = arith.constant 1 : i32
      "tpu.region"() ({
        %run_scoped3A_79 = tpu.sem_alloc : memref<!tpu.dma_semaphore, #tpu.memory_space<semaphore_mem>>
        %dma_start3A_80 = arith.constant 0 : i32
        %dma_start3A_81 = tpu.memref_slice %arg5[%run_scoped3A_60, %dma_start3A_80] : memref<2x80xi32, #tpu.memory_space<vmem>> -> memref<1x80xi32, #tpu.memory_space<vmem>>
        %dma_start3A_82 = tpu.memref_squeeze %dma_start3A_81 : memref<1x80xi32, #tpu.memory_space<vmem>> -> memref<80xi32, #tpu.memory_space<vmem>>
        %dma_start3A_83 = arith.constant 0 : i32
        %dma_start3A_84 = arith.constant 0 : i32
        %dma_start3A_85 = tpu.memref_slice %arg10[%dma_start3A_83, %dma_start3A_84] : memref<10240x128xf32, #tpu.memory_space<vmem_shared>> -> memref<10240x128xf32, #tpu.memory_space<vmem_shared>>
        tpu.enqueue_indirect_dma source(%arg7 : memref<80x128xf32, #tpu.memory_space<vmem>>) target(%dma_start3A_85 : memref<10240x128xf32, #tpu.memory_space<vmem_shared>>) offsets(%dma_start3A_82 : memref<80xi32, #tpu.memory_space<vmem>>) semaphore(%run_scoped3A_79 : memref<!tpu.dma_semaphore, #tpu.memory_space<semaphore_mem>>) {add = true}
        %dma_wait3A_86 = arith.constant 0 : i32
        %dma_wait3A_87 = tpu.memref_slice %arg5[%run_scoped3A_60, %dma_wait3A_86] : memref<2x80xi32, #tpu.memory_space<vmem>> -> memref<1x80xi32, #tpu.memory_space<vmem>>
        %dma_wait3A_88 = tpu.memref_squeeze %dma_wait3A_87 : memref<1x80xi32, #tpu.memory_space<vmem>> -> memref<80xi32, #tpu.memory_space<vmem>>
        %dma_wait3A_89 = arith.constant 0 : i32
        %dma_wait3A_90 = arith.constant 0 : i32
        %dma_wait3A_91 = tpu.memref_slice %arg10[%dma_wait3A_89, %dma_wait3A_90] : memref<10240x128xf32, #tpu.memory_space<vmem_shared>> -> memref<10240x128xf32, #tpu.memory_space<vmem_shared>>
        tpu.wait_indirect_dma semaphore(%run_scoped3A_79 : memref<!tpu.dma_semaphore, #tpu.memory_space<semaphore_mem>>) src(%arg7 : memref<80x128xf32, #tpu.memory_space<vmem>>) dst(%dma_wait3A_91 : memref<10240x128xf32, #tpu.memory_space<vmem_shared>>)
        tpu.yield
      }) : () -> ()
      %add3A_61 = arith.constant 2 : i32
      %add3A_62 = arith.addi %mul3A_43, %add3A_61 : i32
      "tpu.region"() ({
        %run_scoped3A_79 = tpu.sem_alloc : memref<!tpu.dma_semaphore, #tpu.memory_space<semaphore_mem>>
        %dma_start3A_80 = arith.constant 0 : i32
        %dma_start3A_81 = arith.constant 0 : i32
        %dma_start3A_82 = tpu.memref_slice %arg2[%add3A, %add3A_62, %dma_start3A_80, %dma_start3A_81] : memref<32x125x2x80xi32, #tpu.memory_space<hbm>> -> memref<1x1x2x80xi32, #tpu.memory_space<hbm>>
        %dma_start3A_83 = tpu.memref_squeeze %dma_start3A_82 : memref<1x1x2x80xi32, #tpu.memory_space<hbm>> -> memref<2x80xi32, #tpu.memory_space<hbm>>
        %dma_start3A_84 = arith.constant 0 : i32
        %dma_start3A_85 = arith.constant 0 : i32
        %dma_start3A_86 = tpu.memref_slice %arg2[%add3A, %add3A_62, %dma_start3A_84, %dma_start3A_85] : memref<32x125x2x80xi32, #tpu.memory_space<hbm>> -> memref<1x1x2x80xi32, #tpu.memory_space<hbm>>
        %dma_start3A_87 = tpu.memref_squeeze %dma_start3A_86 : memref<1x1x2x80xi32, #tpu.memory_space<hbm>> -> memref<2x80xi32, #tpu.memory_space<hbm>>
        tpu.enqueue_dma source(%dma_start3A_87 : memref<2x80xi32, #tpu.memory_space<hbm>>) target(%arg5 : memref<2x80xi32, #tpu.memory_space<vmem>>) target_semaphore(%run_scoped3A_79 : memref<!tpu.dma_semaphore, #tpu.memory_space<semaphore_mem>>)
        %dma_wait3A_88 = arith.constant 0 : i32
        %dma_wait3A_89 = arith.constant 0 : i32
        %dma_wait3A_90 = tpu.memref_slice %arg2[%add3A, %add3A_62, %dma_wait3A_88, %dma_wait3A_89] : memref<32x125x2x80xi32, #tpu.memory_space<hbm>> -> memref<1x1x2x80xi32, #tpu.memory_space<hbm>>
        %dma_wait3A_91 = tpu.memref_squeeze %dma_wait3A_90 : memref<1x1x2x80xi32, #tpu.memory_space<hbm>> -> memref<2x80xi32, #tpu.memory_space<hbm>>
        %dma_wait3A_92 = arith.constant 0 : i32
        %dma_wait3A_93 = arith.constant 0 : i32
        %dma_wait3A_94 = tpu.memref_slice %arg2[%add3A, %add3A_62, %dma_wait3A_92, %dma_wait3A_93] : memref<32x125x2x80xi32, #tpu.memory_space<hbm>> -> memref<1x1x2x80xi32, #tpu.memory_space<hbm>>
        %dma_wait3A_95 = tpu.memref_squeeze %dma_wait3A_94 : memref<1x1x2x80xi32, #tpu.memory_space<hbm>> -> memref<2x80xi32, #tpu.memory_space<hbm>>
        tpu.wait_dma2 semaphore(%run_scoped3A_79 : memref<!tpu.dma_semaphore, #tpu.memory_space<semaphore_mem>>) src(%dma_wait3A_95 : memref<2x80xi32, #tpu.memory_space<hbm>>) dst(%arg5 : memref<2x80xi32, #tpu.memory_space<vmem>>)
        tpu.yield
      }) : () -> ()
      %dma_wait3A_63 = arith.constant 0 : i32
      %dma_wait3A_64 = arith.constant 0 : i32
      %dma_wait3A_65 = tpu.memref_slice %arg6[%dma_wait3A_63, %dma_wait3A_64] : memref<2x80xi32, #tpu.memory_space<vmem>> -> memref<1x80xi32, #tpu.memory_space<vmem>>
      %dma_wait3A_66 = tpu.memref_squeeze %dma_wait3A_65 : memref<1x80xi32, #tpu.memory_space<vmem>> -> memref<80xi32, #tpu.memory_space<vmem>>
      %dma_wait3A_67 = arith.constant 0 : i32
      %dma_wait3A_68 = arith.constant 0 : i32
      %dma_wait3A_69 = tpu.memref_slice %arg3[%dma_wait3A_67, %dma_wait3A_68] : memref<10240x128xf32, #tpu.memory_space<hbm>> -> memref<10240x128xf32, #tpu.memory_space<hbm>>
      tpu.wait_indirect_dma semaphore(%arg12 : memref<!tpu.dma_semaphore, #tpu.memory_space<semaphore_mem>>) src(%dma_wait3A_69 : memref<10240x128xf32, #tpu.memory_space<hbm>>) dst(%arg8 : memref<80x128xf32, #tpu.memory_space<vmem>>)
      %dma_start3A_70 = arith.constant 0 : i32
      %dma_start3A_71 = arith.constant 0 : i32
      %dma_start3A_72 = tpu.memref_slice %arg5[%dma_start3A_70, %dma_start3A_71] : memref<2x80xi32, #tpu.memory_space<vmem>> -> memref<1x80xi32, #tpu.memory_space<vmem>>
      %dma_start3A_73 = tpu.memref_squeeze %dma_start3A_72 : memref<1x80xi32, #tpu.memory_space<vmem>> -> memref<80xi32, #tpu.memory_space<vmem>>
      %dma_start3A_74 = arith.constant 0 : i32
      %dma_start3A_75 = arith.constant 0 : i32
      %dma_start3A_76 = tpu.memref_slice %arg3[%dma_start3A_74, %dma_start3A_75] : memref<10240x128xf32, #tpu.memory_space<hbm>> -> memref<10240x128xf32, #tpu.memory_space<hbm>>
      tpu.enqueue_indirect_dma source(%dma_start3A_76 : memref<10240x128xf32, #tpu.memory_space<hbm>>) target(%arg7 : memref<80x128xf32, #tpu.memory_space<vmem>>) offsets(%dma_start3A_73 : memref<80xi32, #tpu.memory_space<vmem>>) semaphore(%arg11 : memref<!tpu.dma_semaphore, #tpu.memory_space<semaphore_mem>>)
      %run_scoped3A_77 = arith.constant 1 : i32
      "tpu.region"() ({
        %run_scoped3A_79 = tpu.sem_alloc : memref<!tpu.dma_semaphore, #tpu.memory_space<semaphore_mem>>
        %dma_start3A_80 = arith.constant 0 : i32
        %dma_start3A_81 = tpu.memref_slice %arg6[%run_scoped3A_77, %dma_start3A_80] : memref<2x80xi32, #tpu.memory_space<vmem>> -> memref<1x80xi32, #tpu.memory_space<vmem>>
        %dma_start3A_82 = tpu.memref_squeeze %dma_start3A_81 : memref<1x80xi32, #tpu.memory_space<vmem>> -> memref<80xi32, #tpu.memory_space<vmem>>
        %dma_start3A_83 = arith.constant 0 : i32
        %dma_start3A_84 = arith.constant 0 : i32
        %dma_start3A_85 = tpu.memref_slice %arg10[%dma_start3A_83, %dma_start3A_84] : memref<10240x128xf32, #tpu.memory_space<vmem_shared>> -> memref<10240x128xf32, #tpu.memory_space<vmem_shared>>
        tpu.enqueue_indirect_dma source(%arg8 : memref<80x128xf32, #tpu.memory_space<vmem>>) target(%dma_start3A_85 : memref<10240x128xf32, #tpu.memory_space<vmem_shared>>) offsets(%dma_start3A_82 : memref<80xi32, #tpu.memory_space<vmem>>) semaphore(%run_scoped3A_79 : memref<!tpu.dma_semaphore, #tpu.memory_space<semaphore_mem>>) {add = true}
        %dma_wait3A_86 = arith.constant 0 : i32
        %dma_wait3A_87 = tpu.memref_slice %arg6[%run_scoped3A_77, %dma_wait3A_86] : memref<2x80xi32, #tpu.memory_space<vmem>> -> memref<1x80xi32, #tpu.memory_space<vmem>>
        %dma_wait3A_88 = tpu.memref_squeeze %dma_wait3A_87 : memref<1x80xi32, #tpu.memory_space<vmem>> -> memref<80xi32, #tpu.memory_space<vmem>>
        %dma_wait3A_89 = arith.constant 0 : i32
        %dma_wait3A_90 = arith.constant 0 : i32
        %dma_wait3A_91 = tpu.memref_slice %arg10[%dma_wait3A_89, %dma_wait3A_90] : memref<10240x128xf32, #tpu.memory_space<vmem_shared>> -> memref<10240x128xf32, #tpu.memory_space<vmem_shared>>
        tpu.wait_indirect_dma semaphore(%run_scoped3A_79 : memref<!tpu.dma_semaphore, #tpu.memory_space<semaphore_mem>>) src(%arg8 : memref<80x128xf32, #tpu.memory_space<vmem>>) dst(%dma_wait3A_91 : memref<10240x128xf32, #tpu.memory_space<vmem_shared>>)
        tpu.yield
      }) : () -> ()
      %scan3A_78 = arith.constant 0 : i32
      scf.yield %scan3A_78 : i32
    }
    %scan3A_27 = arith.constant 62 : i32
    %dma_wait3A = arith.constant 0 : i32
    %dma_wait3A_28 = arith.constant 0 : i32
    %dma_wait3A_29 = tpu.memref_slice %arg5[%dma_wait3A, %dma_wait3A_28] : memref<2x80xi32, #tpu.memory_space<vmem>> -> memref<1x80xi32, #tpu.memory_space<vmem>>
    %dma_wait3A_30 = tpu.memref_squeeze %dma_wait3A_29 : memref<1x80xi32, #tpu.memory_space<vmem>> -> memref<80xi32, #tpu.memory_space<vmem>>
    %dma_wait3A_31 = arith.constant 0 : i32
    %dma_wait3A_32 = arith.constant 0 : i32
    %dma_wait3A_33 = tpu.memref_slice %arg3[%dma_wait3A_31, %dma_wait3A_32] : memref<10240x128xf32, #tpu.memory_space<hbm>> -> memref<10240x128xf32, #tpu.memory_space<hbm>>
    tpu.wait_indirect_dma semaphore(%arg11 : memref<!tpu.dma_semaphore, #tpu.memory_space<semaphore_mem>>) src(%dma_wait3A_33 : memref<10240x128xf32, #tpu.memory_space<hbm>>) dst(%arg7 : memref<80x128xf32, #tpu.memory_space<vmem>>)
    %run_scoped3A_34 = arith.constant 1 : i32
    "tpu.region"() ({
      %run_scoped3A_40 = tpu.sem_alloc : memref<!tpu.dma_semaphore, #tpu.memory_space<semaphore_mem>>
      %dma_start3A_41 = arith.constant 0 : i32
      %dma_start3A_42 = tpu.memref_slice %arg5[%run_scoped3A_34, %dma_start3A_41] : memref<2x80xi32, #tpu.memory_space<vmem>> -> memref<1x80xi32, #tpu.memory_space<vmem>>
      %dma_start3A_43 = tpu.memref_squeeze %dma_start3A_42 : memref<1x80xi32, #tpu.memory_space<vmem>> -> memref<80xi32, #tpu.memory_space<vmem>>
      %dma_start3A_44 = arith.constant 0 : i32
      %dma_start3A_45 = arith.constant 0 : i32
      %dma_start3A_46 = tpu.memref_slice %arg10[%dma_start3A_44, %dma_start3A_45] : memref<10240x128xf32, #tpu.memory_space<vmem_shared>> -> memref<10240x128xf32, #tpu.memory_space<vmem_shared>>
      tpu.enqueue_indirect_dma source(%arg7 : memref<80x128xf32, #tpu.memory_space<vmem>>) target(%dma_start3A_46 : memref<10240x128xf32, #tpu.memory_space<vmem_shared>>) offsets(%dma_start3A_43 : memref<80xi32, #tpu.memory_space<vmem>>) semaphore(%run_scoped3A_40 : memref<!tpu.dma_semaphore, #tpu.memory_space<semaphore_mem>>) {add = true}
      %dma_wait3A_47 = arith.constant 0 : i32
      %dma_wait3A_48 = tpu.memref_slice %arg5[%run_scoped3A_34, %dma_wait3A_47] : memref<2x80xi32, #tpu.memory_space<vmem>> -> memref<1x80xi32, #tpu.memory_space<vmem>>
      %dma_wait3A_49 = tpu.memref_squeeze %dma_wait3A_48 : memref<1x80xi32, #tpu.memory_space<vmem>> -> memref<80xi32, #tpu.memory_space<vmem>>
      %dma_wait3A_50 = arith.constant 0 : i32
      %dma_wait3A_51 = arith.constant 0 : i32
      %dma_wait3A_52 = tpu.memref_slice %arg10[%dma_wait3A_50, %dma_wait3A_51] : memref<10240x128xf32, #tpu.memory_space<vmem_shared>> -> memref<10240x128xf32, #tpu.memory_space<vmem_shared>>
      tpu.wait_indirect_dma semaphore(%run_scoped3A_40 : memref<!tpu.dma_semaphore, #tpu.memory_space<semaphore_mem>>) src(%arg7 : memref<80x128xf32, #tpu.memory_space<vmem>>) dst(%dma_wait3A_52 : memref<10240x128xf32, #tpu.memory_space<vmem_shared>>)
      tpu.yield
    }) : () -> ()
    %barrier3A_35 = arith.constant 0 : index
    tpu.barrier barrier_id(%barrier3A_35)
    %mul3A_36 = arith.constant 640 : i32
    %mul3A_37 = arith.muli %arg1, %mul3A_36 : i32
    %mul3A_38 = arith.constant 640 : i32
    %mul3A_39 = arith.muli %arg1, %mul3A_38 : i32
    "tpu.region"() ({
      %run_scoped3A_40 = tpu.sem_alloc : memref<!tpu.dma_semaphore, #tpu.memory_space<semaphore_mem>>
      %dma_start3A_41 = arith.constant 0 : i32
      %dma_start3A_42 = tpu.memref_slice %arg4[%arg0, %mul3A_39, %dma_start3A_41] : memref<2x10240x128xf32, #tpu.memory_space<hbm>> -> memref<1x640x128xf32, #tpu.memory_space<hbm>>
      %dma_start3A_43 = tpu.memref_squeeze %dma_start3A_42 : memref<1x640x128xf32, #tpu.memory_space<hbm>> -> memref<640x128xf32, #tpu.memory_space<hbm>>
      %dma_start3A_44 = arith.constant 0 : i32
      %dma_start3A_45 = tpu.memref_slice %arg10[%mul3A_37, %dma_start3A_44] : memref<10240x128xf32, #tpu.memory_space<vmem_shared>> -> memref<640x128xf32, #tpu.memory_space<vmem_shared>>
      tpu.enqueue_dma source(%dma_start3A_45 : memref<640x128xf32, #tpu.memory_space<vmem_shared>>) target(%dma_start3A_43 : memref<640x128xf32, #tpu.memory_space<hbm>>) target_semaphore(%run_scoped3A_40 : memref<!tpu.dma_semaphore, #tpu.memory_space<semaphore_mem>>)
      %dma_wait3A_46 = arith.constant 0 : i32
      %dma_wait3A_47 = tpu.memref_slice %arg4[%arg0, %mul3A_39, %dma_wait3A_46] : memref<2x10240x128xf32, #tpu.memory_space<hbm>> -> memref<1x640x128xf32, #tpu.memory_space<hbm>>
      %dma_wait3A_48 = tpu.memref_squeeze %dma_wait3A_47 : memref<1x640x128xf32, #tpu.memory_space<hbm>> -> memref<640x128xf32, #tpu.memory_space<hbm>>
      %dma_wait3A_49 = arith.constant 0 : i32
      %dma_wait3A_50 = tpu.memref_slice %arg10[%mul3A_37, %dma_wait3A_49] : memref<10240x128xf32, #tpu.memory_space<vmem_shared>> -> memref<640x128xf32, #tpu.memory_space<vmem_shared>>
      tpu.wait_dma2 semaphore(%run_scoped3A_40 : memref<!tpu.dma_semaphore, #tpu.memory_space<semaphore_mem>>) src(%dma_wait3A_50 : memref<640x128xf32, #tpu.memory_space<vmem_shared>>) dst(%dma_wait3A_48 : memref<640x128xf32, #tpu.memory_space<hbm>>)
      tpu.yield
    }) : () -> ()
    return
  }
}

module attributes {stable_mosaic.version = 14 : i64} {
  func.func @_tc_mm_body(%arg0: i32, %arg1: memref<256x128xf32, #tpu.memory_space<vmem>>, %arg2: memref<128x128xf32, #tpu.memory_space<vmem>>, %arg3: memref<256x128xf32, #tpu.memory_space<vmem>>) attributes {dimension_semantics = [#tpu.dimension_semantics<arbitrary>], iteration_bounds = array<i64: 40>, scalar_prefetch = 0 : i64, scratch_operands = 0 : i64, tpu.core_type = #tpu.core_type<tc>, window_params = [{transform_indices = @transform_0, window_bounds = array<i64: 256, 128>}, {pipeline_mode = #tpu.pipeline_mode<synchronous>, transform_indices = @transform_1, window_bounds = array<i64: 128, 128>}, {transform_indices = @transform_2, window_bounds = array<i64: 256, 128>}]} {
    %get3A = arith.constant 0 : index
    %get3A_0 = arith.constant 0 : index
    %get3A_1 = vector.load %arg1[%get3A, %get3A_0] : memref<256x128xf32, #tpu.memory_space<vmem>>, vector<256x128xf32>
    %get3A_2 = arith.constant 0 : index
    %get3A_3 = arith.constant 0 : index
    %get3A_4 = vector.load %arg2[%get3A_2, %get3A_3] : memref<128x128xf32, #tpu.memory_space<vmem>>, vector<128x128xf32>
    %dot_general3A = arith.constant dense<0.000000e+00> : vector<256x128xf32>
    %dot_general3A_5 = tpu.matmul %get3A_1, %get3A_4, %dot_general3A {dimension_numbers = #tpu.dot_dimension_numbers<[1], [0], [0], [1], [0, 0, 1, 1], [], []>, transpose_lhs_hint = false} : vector<256x128xf32>, vector<128x128xf32>, vector<256x128xf32> -> vector<256x128xf32>
    %swap3A = arith.constant 0 : index
    %swap3A_6 = arith.constant 0 : index
    %swap3A_7 = vector.load %arg3[%swap3A, %swap3A_6] : memref<256x128xf32, #tpu.memory_space<vmem>>, vector<256x128xf32>
    tpu.vector_store %arg3[%swap3A, %swap3A_6], %dot_general3A_5 {strides = array<i32>} : memref<256x128xf32, #tpu.memory_space<vmem>>, vector<256x128xf32>,
    return
  }
  func.func @transform_0(%arg0: i32) -> (i32, i32) {
    %c0_i32 = arith.constant 0 : i32
    %c0_i32_0 = arith.constant 0 : i32
    return %arg0, %c0_i32 : i32, i32
  }
  func.func @transform_1(%arg0: i32) -> (i32, i32) {
    %c0_i32 = arith.constant 0 : i32
    %c0_i32_0 = arith.constant 0 : i32
    %c0_i32_1 = arith.constant 0 : i32
    return %c0_i32, %c0_i32_0 : i32, i32
  }
  func.func @transform_2(%arg0: i32) -> (i32, i32) {
    %c0_i32 = arith.constant 0 : i32
    %c0_i32_0 = arith.constant 0 : i32
    return %arg0, %c0_i32 : i32, i32
  }
}

module attributes {stable_mosaic.version = 14 : i64} {
  func.func @_tc_scale_body(%arg0: i32, %arg1: memref<256x128xf32, #tpu.memory_space<vmem>>, %arg2: memref<256x1xf32, #tpu.memory_space<vmem>>, %arg3: memref<256x1xf32, #tpu.memory_space<vmem>>, %arg4: memref<256x128xf32, #tpu.memory_space<vmem>>, %arg5: memref<256x1xf32, #tpu.memory_space<vmem>>) attributes {dimension_semantics = [#tpu.dimension_semantics<arbitrary>], iteration_bounds = array<i64: 40>, scalar_prefetch = 0 : i64, scratch_operands = 0 : i64, tpu.core_type = #tpu.core_type<tc>, window_params = [{transform_indices = @transform_0, window_bounds = array<i64: 256, 128>}, {transform_indices = @transform_1, window_bounds = array<i64: 256, 1>}, {transform_indices = @transform_2, window_bounds = array<i64: 256, 1>}, {transform_indices = @transform_3, window_bounds = array<i64: 256, 128>}, {transform_indices = @transform_4, window_bounds = array<i64: 256, 1>}]} {
    %get3A = arith.constant 0 : index
    %get3A_0 = arith.constant 0 : index
    %get3A_1 = vector.load %arg2[%get3A, %get3A_0] : memref<256x1xf32, #tpu.memory_space<vmem>>, vector<256x1xf32>
    %get3A_2 = arith.constant 0 : index
    %get3A_3 = arith.constant 0 : index
    %get3A_4 = vector.load %arg3[%get3A_2, %get3A_3] : memref<256x1xf32, #tpu.memory_space<vmem>>, vector<256x1xf32>
    %add3A = arith.addf %get3A_1, %get3A_4 : vector<256x1xf32>
    %add3A_5 = arith.constant 1.000000e+00 : f32
    %add3A_6 = vector.broadcast %add3A_5 : f32 to vector<256x1xf32>
    %add3A_7 = arith.addf %add3A, %add3A_6 : vector<256x1xf32>
    %rsqrt3A = math.rsqrt %add3A_7 : vector<256x1xf32>
    %get3A_8 = arith.constant 0 : index
    %get3A_9 = arith.constant 0 : index
    %get3A_10 = vector.load %arg1[%get3A_8, %get3A_9] : memref<256x128xf32, #tpu.memory_space<vmem>>, vector<256x128xf32>
    %mul3A = vector.broadcast %rsqrt3A : vector<256x1xf32> to vector<256x128xf32>
    %mul3A_11 = arith.mulf %get3A_10, %mul3A : vector<256x128xf32>
    %swap3A = arith.constant 0 : index
    %swap3A_12 = arith.constant 0 : index
    %swap3A_13 = vector.load %arg4[%swap3A, %swap3A_12] : memref<256x128xf32, #tpu.memory_space<vmem>>, vector<256x128xf32>
    tpu.vector_store %arg4[%swap3A, %swap3A_12], %mul3A_11 {strides = array<i32>} : memref<256x128xf32, #tpu.memory_space<vmem>>, vector<256x128xf32>,
    %swap3A_14 = arith.constant 0 : index
    %swap3A_15 = arith.constant 0 : index
    %swap3A_16 = vector.load %arg5[%swap3A_14, %swap3A_15] : memref<256x1xf32, #tpu.memory_space<vmem>>, vector<256x1xf32>
    tpu.vector_store %arg5[%swap3A_14, %swap3A_15], %rsqrt3A {strides = array<i32>} : memref<256x1xf32, #tpu.memory_space<vmem>>, vector<256x1xf32>,
    return
  }
  func.func @transform_0(%arg0: i32) -> (i32, i32) {
    %c0_i32 = arith.constant 0 : i32
    %c0_i32_0 = arith.constant 0 : i32
    return %arg0, %c0_i32 : i32, i32
  }
  func.func @transform_1(%arg0: i32) -> (i32, i32) {
    %c0_i32 = arith.constant 0 : i32
    %c0_i32_0 = arith.constant 0 : i32
    return %arg0, %c0_i32 : i32, i32
  }
  func.func @transform_2(%arg0: i32) -> (i32, i32) {
    %c0_i32 = arith.constant 0 : i32
    %c0_i32_0 = arith.constant 0 : i32
    return %arg0, %c0_i32 : i32, i32
  }
  func.func @transform_3(%arg0: i32) -> (i32, i32) {
    %c0_i32 = arith.constant 0 : i32
    %c0_i32_0 = arith.constant 0 : i32
    return %arg0, %c0_i32 : i32, i32
  }
  func.func @transform_4(%arg0: i32) -> (i32, i32) {
    %c0_i32 = arith.constant 0 : i32
    %c0_i32_0 = arith.constant 0 : i32
    return %arg0, %c0_i32 : i32, i32
  }
}

module attributes {stable_mosaic.version = 14 : i64} {
  func.func @_tc_mid_body(%arg0: i32, %arg1: memref<256x128xf32, #tpu.memory_space<vmem>>, %arg2: memref<256x128xf32, #tpu.memory_space<vmem>>, %arg3: memref<256x128xf32, #tpu.memory_space<vmem>>, %arg4: memref<256x1xf32, #tpu.memory_space<vmem>>, %arg5: memref<1x128xf32, #tpu.memory_space<vmem>>, %arg6: memref<128x128xf32, #tpu.memory_space<vmem>>, %arg7: memref<256x128xf32, #tpu.memory_space<vmem>>) attributes {dimension_semantics = [#tpu.dimension_semantics<arbitrary>], iteration_bounds = array<i64: 40>, scalar_prefetch = 0 : i64, scratch_operands = 0 : i64, tpu.core_type = #tpu.core_type<tc>, window_params = [{transform_indices = @transform_0, window_bounds = array<i64: 256, 128>}, {transform_indices = @transform_1, window_bounds = array<i64: 256, 128>}, {transform_indices = @transform_2, window_bounds = array<i64: 256, 128>}, {transform_indices = @transform_3, window_bounds = array<i64: 256, 1>}, {pipeline_mode = #tpu.pipeline_mode<synchronous>, transform_indices = @transform_4, window_bounds = array<i64: 1, 128>}, {pipeline_mode = #tpu.pipeline_mode<synchronous>, transform_indices = @transform_5, window_bounds = array<i64: 128, 128>}, {transform_indices = @transform_6, window_bounds = array<i64: 256, 128>}]} {
    %get3A = arith.constant 0 : index
    %get3A_0 = arith.constant 0 : index
    %get3A_1 = vector.load %arg4[%get3A, %get3A_0] : memref<256x1xf32, #tpu.memory_space<vmem>>, vector<256x1xf32>
    %get3A_2 = arith.constant 0 : index
    %get3A_3 = arith.constant 0 : index
    %get3A_4 = vector.load %arg1[%get3A_2, %get3A_3] : memref<256x128xf32, #tpu.memory_space<vmem>>, vector<256x128xf32>
    %get3A_5 = arith.constant 0 : index
    %get3A_6 = arith.constant 0 : index
    %get3A_7 = vector.load %arg2[%get3A_5, %get3A_6] : memref<256x128xf32, #tpu.memory_space<vmem>>, vector<256x128xf32>
    %add3A = arith.addf %get3A_4, %get3A_7 : vector<256x128xf32>
    %get3A_8 = arith.constant 0 : index
    %get3A_9 = arith.constant 0 : index
    %get3A_10 = vector.load %arg3[%get3A_8, %get3A_9] : memref<256x128xf32, #tpu.memory_space<vmem>>, vector<256x128xf32>
    %add3A_11 = arith.addf %add3A, %get3A_10 : vector<256x128xf32>
    %mul3A = vector.broadcast %get3A_1 : vector<256x1xf32> to vector<256x128xf32>
    %mul3A_12 = arith.mulf %add3A_11, %mul3A : vector<256x128xf32>
    %get3A_13 = arith.constant 0 : index
    %get3A_14 = arith.constant 0 : index
    %get3A_15 = vector.load %arg5[%get3A_13, %get3A_14] : memref<1x128xf32, #tpu.memory_space<vmem>>, vector<1x128xf32>
    %add3A_16 = vector.broadcast %get3A_15 : vector<1x128xf32> to vector<256x128xf32>
    %add3A_17 = arith.addf %mul3A_12, %add3A_16 : vector<256x128xf32>
    %max3A = arith.constant 0.000000e+00 : f32
    %max3A_18 = vector.broadcast %max3A : f32 to vector<256x128xf32>
    %max3A_19 = arith.maximumf %add3A_17, %max3A_18 : vector<256x128xf32>
    %get3A_20 = arith.constant 0 : index
    %get3A_21 = arith.constant 0 : index
    %get3A_22 = vector.load %arg6[%get3A_20, %get3A_21] : memref<128x128xf32, #tpu.memory_space<vmem>>, vector<128x128xf32>
    %dot_general3A = arith.constant dense<0.000000e+00> : vector<256x128xf32>
    %dot_general3A_23 = tpu.matmul %max3A_19, %get3A_22, %dot_general3A {dimension_numbers = #tpu.dot_dimension_numbers<[1], [0], [0], [1], [0, 0, 1, 1], [], []>, transpose_lhs_hint = false} : vector<256x128xf32>, vector<128x128xf32>, vector<256x128xf32> -> vector<256x128xf32>
    %mul3A_24 = vector.broadcast %get3A_1 : vector<256x1xf32> to vector<256x128xf32>
    %mul3A_25 = arith.mulf %dot_general3A_23, %mul3A_24 : vector<256x128xf32>
    %swap3A = arith.constant 0 : index
    %swap3A_26 = arith.constant 0 : index
    %swap3A_27 = vector.load %arg7[%swap3A, %swap3A_26] : memref<256x128xf32, #tpu.memory_space<vmem>>, vector<256x128xf32>
    tpu.vector_store %arg7[%swap3A, %swap3A_26], %mul3A_25 {strides = array<i32>} : memref<256x128xf32, #tpu.memory_space<vmem>>, vector<256x128xf32>,
    return
  }
  func.func @transform_0(%arg0: i32) -> (i32, i32) {
    %c0_i32 = arith.constant 0 : i32
    %c0_i32_0 = arith.constant 0 : i32
    return %arg0, %c0_i32 : i32, i32
  }
  func.func @transform_1(%arg0: i32) -> (i32, i32) {
    %c0_i32 = arith.constant 0 : i32
    %c0_i32_0 = arith.constant 0 : i32
    return %arg0, %c0_i32 : i32, i32
  }
  func.func @transform_2(%arg0: i32) -> (i32, i32) {
    %c0_i32 = arith.constant 0 : i32
    %c0_i32_0 = arith.constant 0 : i32
    return %arg0, %c0_i32 : i32, i32
  }
  func.func @transform_3(%arg0: i32) -> (i32, i32) {
    %c0_i32 = arith.constant 0 : i32
    %c0_i32_0 = arith.constant 0 : i32
    return %arg0, %c0_i32 : i32, i32
  }
  func.func @transform_4(%arg0: i32) -> (i32, i32) {
    %c0_i32 = arith.constant 0 : i32
    %c0_i32_0 = arith.constant 0 : i32
    %c0_i32_1 = arith.constant 0 : i32
    return %c0_i32, %c0_i32_0 : i32, i32
  }
  func.func @transform_5(%arg0: i32) -> (i32, i32) {
    %c0_i32 = arith.constant 0 : i32
    %c0_i32_0 = arith.constant 0 : i32
    %c0_i32_1 = arith.constant 0 : i32
    return %c0_i32, %c0_i32_0 : i32, i32
  }
  func.func @transform_6(%arg0: i32) -> (i32, i32) {
    %c0_i32 = arith.constant 0 : i32
    %c0_i32_0 = arith.constant 0 : i32
    return %arg0, %c0_i32 : i32, i32
  }
}

module attributes {stable_mosaic.version = 14 : i64} {
  func.func @_tc_last_body(%arg0: i32, %arg1: memref<256x128xf32, #tpu.memory_space<vmem>>, %arg2: memref<256x128xf32, #tpu.memory_space<vmem>>, %arg3: memref<256x128xf32, #tpu.memory_space<vmem>>, %arg4: memref<256x1xf32, #tpu.memory_space<vmem>>, %arg5: memref<1x128xf32, #tpu.memory_space<vmem>>, %arg6: memref<256x128xf32, #tpu.memory_space<vmem>>) attributes {dimension_semantics = [#tpu.dimension_semantics<arbitrary>], iteration_bounds = array<i64: 40>, scalar_prefetch = 0 : i64, scratch_operands = 0 : i64, tpu.core_type = #tpu.core_type<tc>, window_params = [{transform_indices = @transform_0, window_bounds = array<i64: 256, 128>}, {transform_indices = @transform_1, window_bounds = array<i64: 256, 128>}, {transform_indices = @transform_2, window_bounds = array<i64: 256, 128>}, {transform_indices = @transform_3, window_bounds = array<i64: 256, 1>}, {pipeline_mode = #tpu.pipeline_mode<synchronous>, transform_indices = @transform_4, window_bounds = array<i64: 1, 128>}, {transform_indices = @transform_5, window_bounds = array<i64: 256, 128>}]} {
    %get3A = arith.constant 0 : index
    %get3A_0 = arith.constant 0 : index
    %get3A_1 = vector.load %arg1[%get3A, %get3A_0] : memref<256x128xf32, #tpu.memory_space<vmem>>, vector<256x128xf32>
    %get3A_2 = arith.constant 0 : index
    %get3A_3 = arith.constant 0 : index
    %get3A_4 = vector.load %arg2[%get3A_2, %get3A_3] : memref<256x128xf32, #tpu.memory_space<vmem>>, vector<256x128xf32>
    %add3A = arith.addf %get3A_1, %get3A_4 : vector<256x128xf32>
    %get3A_5 = arith.constant 0 : index
    %get3A_6 = arith.constant 0 : index
    %get3A_7 = vector.load %arg3[%get3A_5, %get3A_6] : memref<256x128xf32, #tpu.memory_space<vmem>>, vector<256x128xf32>
    %add3A_8 = arith.addf %add3A, %get3A_7 : vector<256x128xf32>
    %get3A_9 = arith.constant 0 : index
    %get3A_10 = arith.constant 0 : index
    %get3A_11 = vector.load %arg4[%get3A_9, %get3A_10] : memref<256x1xf32, #tpu.memory_space<vmem>>, vector<256x1xf32>
    %mul3A = vector.broadcast %get3A_11 : vector<256x1xf32> to vector<256x128xf32>
    %mul3A_12 = arith.mulf %add3A_8, %mul3A : vector<256x128xf32>
    %get3A_13 = arith.constant 0 : index
    %get3A_14 = arith.constant 0 : index
    %get3A_15 = vector.load %arg5[%get3A_13, %get3A_14] : memref<1x128xf32, #tpu.memory_space<vmem>>, vector<1x128xf32>
    %add3A_16 = vector.broadcast %get3A_15 : vector<1x128xf32> to vector<256x128xf32>
    %add3A_17 = arith.addf %mul3A_12, %add3A_16 : vector<256x128xf32>
    %swap3A = arith.constant 0 : index
    %swap3A_18 = arith.constant 0 : index
    %swap3A_19 = vector.load %arg6[%swap3A, %swap3A_18] : memref<256x128xf32, #tpu.memory_space<vmem>>, vector<256x128xf32>
    tpu.vector_store %arg6[%swap3A, %swap3A_18], %add3A_17 {strides = array<i32>} : memref<256x128xf32, #tpu.memory_space<vmem>>, vector<256x128xf32>,
    return
  }
  func.func @transform_0(%arg0: i32) -> (i32, i32) {
    %c0_i32 = arith.constant 0 : i32
    %c0_i32_0 = arith.constant 0 : i32
    return %arg0, %c0_i32 : i32, i32
  }
  func.func @transform_1(%arg0: i32) -> (i32, i32) {
    %c0_i32 = arith.constant 0 : i32
    %c0_i32_0 = arith.constant 0 : i32
    return %arg0, %c0_i32 : i32, i32
  }
  func.func @transform_2(%arg0: i32) -> (i32, i32) {
    %c0_i32 = arith.constant 0 : i32
    %c0_i32_0 = arith.constant 0 : i32
    return %arg0, %c0_i32 : i32, i32
  }
  func.func @transform_3(%arg0: i32) -> (i32, i32) {
    %c0_i32 = arith.constant 0 : i32
    %c0_i32_0 = arith.constant 0 : i32
    return %arg0, %c0_i32 : i32, i32
  }
  func.func @transform_4(%arg0: i32) -> (i32, i32) {
    %c0_i32 = arith.constant 0 : i32
    %c0_i32_0 = arith.constant 0 : i32
    %c0_i32_1 = arith.constant 0 : i32
    return %c0_i32, %c0_i32_0 : i32, i32
  }
  func.func @transform_5(%arg0: i32) -> (i32, i32) {
    %c0_i32 = arith.constant 0 : i32
    %c0_i32_0 = arith.constant 0 : i32
    return %arg0, %c0_i32 : i32, i32
  }
}

</mosaic_0001>

<sc_bundles>
// kernel: _run.12.cloned.1.call-start
scs
__scs_entry_jumppad:
0x0: {  	(pc) =	sbr.rel $0x88, $3  }
0x1: {  	(tag) =	ssettag $0x0;
	lr =	simm.s32 $0x1  }
0x2: {  	[smem:$0x3F9B] =	sst lr;
	_ =	strace $0xD0000000  }
0x3: {  	_ = 	snop  }
0x4: {  	_ = 	snop  }
0x5: {  	_ = 	snop  }
0x6: {  	_ = 	snop  }
0x7: {  	_ = 	snop  }
__scs_overlays_trampoline_lowered:
0x8: {  	[smem:$0x3FAA] =	sst s0  }
0x9: {  	[smem:$0x3FAB] =	sst s1  }
0xa: {  	[smem:$0x3FAC] =	sst s2  }
0xb: {  	[smem:$0x3FAD] =	sst s3  }
0xc: {  	[smem:$0x3FAE] =	sst s4  }
0xd: {  	[smem:$0x3FAF] =	sst s5  }
0xe: {  	[smem:$0x3FB0] =	sst s6  }
0xf: {  	[smem:$0x3FB1] =	sst s7  }
0x10: {  	[smem:$0x3FB2] =	sst s8  }
0x11: {  	[smem:$0x3FB3] =	sst s9;
	s0 =	simm.s32 @!p0 $0x0  }
0x12: {  	s1 =	sld [smem:$0x3F99];
	s0 =	simm.s32 @p0 $0x1  }
0x13: {  	[smem:$0x3FB4] =	sst s0;
	s0 =	simm.s32 @!p1 $0x0  }
0x14: {  	s2 =	sld [smem:$0x3F98];
	s0 =	simm.s32 @p1 $0x1  }
0x15: {  	[smem:$0x3FB5] =	sst s0;
	s0 =	simm.s32 @!p2 $0x0  }
0x16: {  	s3 =	sld [smem:$0x3FDB];
	s0 =	simm.s32 @p2 $0x1  }
0x17: {  	s4 =	simm.s32 $0x1BF5;
	[smem:$0x3FB7] =	sst s0  }
0x18: {  	s0 =	sld [smem:$0x3F9A];
	_ =	swait.ge [sflag:s4], $0x0  }
0x19: {  	s7 =	sld [smem:$0x3F9B]  }
0x1a: {  	s8 =	sadd.s32 $0xFFFFE003, lr  }
0x1b: {  	s9 =	sadd.s32 $0xFFFFFEF7, lr;
	s5 =	simm.s32 $0xFFFFFFFF;
	p2 =	slt.u32 s8, $0xFFFFF086  }
0x1c: {  	p1 =	slt.u32 s9, $0xF7A;
	s5 =	simm.s32 @!p2 $0x0  }
0x1d: {  	s5 =	simm.s32 @p1 $0x1;
	p0 =	seq.s32 s7, s2  }
0x1e: {  	s7 =	smul.u32 @!p0 $0xF7A, s2;
	p2 =	seq.s32 @!p0 s5, $0x0  }
0x1f: {  	s9 =	smul.u32 $0xF7A, s1;
	s8 =	simm.s32 @!p0 $0x1BF5;
	p2 =	por !p2, p0  }
0x20: {  	[sflag:s8] =	ssyncset.s32 @!p0 $0xFFFFF086;
	s6 =	sadd.s32 @!p0 s3, s7;
	s7 =	simm.s32 @!p0 $0x108  }
0x21: {  	s3 =	sadd.s32 s3, s9;
	s6 =	sadd.s32 @!p0 $0x88, s6;
	s7 =	simm.s32 @p2 $0x1082  }
0x22: {  	[simem:s7], [sflag:s8] =	dma.local @!p0 [hbm:s6], $0xF7A  }
0x23: {  	s9 =	sor.u32 $0xD0000000, s2;
	s6 =	simm.s32 $0x108;
	_ =	swait.ge @!p0 [sflag:s8], $0x0  }
0x24: {  	s3 =	sadd.s32 $0x88, s3;
	s6 =	simm.s32 @!p1 $0x1082;
	[sflag:s4] =	ssyncset.s32 $0xFFFFF086  }
0x25: {  	[simem:s6], [sflag:s4] =	dma.local [hbm:s3], $0xF7A  }
0x26: {  	[smem:$0x3F9B] =	sst s1;
	(tag) =	ssettag s2;
	_ =	strace s9  }
0x27: {  	s1 =	sld [smem:$0x3FAB]  }
0x28: {  	s2 =	sld [smem:$0x3FAC]  }
0x29: {  	s4 =	sld [smem:$0x3FAE]  }
0x2a: {  	p0 =	seq.s32 s5, $0x0;
	s5 =	sld [smem:$0x3FAF]  }
0x2b: {  	s6 =	sld [smem:$0x3FB0]  }
0x2c: {  	s7 =	sld [smem:$0x3FB1]  }
0x2d: {  	s3 =	simm.s32 $0x108;
	s8 =	sld [smem:$0x3FB2]  }
0x2e: {  	s3 =	simm.s32 @!p0 $0x1082;
	s9 =	sld [smem:$0x3FB3]  }
0x2f: {  	lr =	sadd.s32 s0, s3;
	s0 =	sld [smem:$0x3FAA]  }
0x30: {  	s3 =	sld [smem:$0x3FAD]  }
0x31: {  	[smem:$0x3FB6] =	sst s10  }
0x32: {  	s10 =	sld [smem:$0x3FB4];
	_ =	sdelay $0x3  }
0x33: {  	p0 =	seq.s32 s10, $0x1;
	s10 =	sld [smem:$0x3FB6];
	_ =	sdelay $0x3  }
0x34: {  	[smem:$0x3FB6] =	sst s10  }
0x35: {  	s10 =	sld [smem:$0x3FB5];
	_ =	sdelay $0x3  }
0x36: {  	p1 =	seq.s32 s10, $0x1;
	s10 =	sld [smem:$0x3FB6];
	_ =	sdelay $0x3  }
0x37: {  	[smem:$0x3FB6] =	sst s10  }
0x38: {  	s10 =	sld [smem:$0x3FB7]  }
0x39: {  	_ = 	snop;
	(pc) =	sbr.ind lr, $3  }
0x3a: {  	_ = 	snop  }
0x3b: {  	_ = 	snop  }
0x3c: {  	p2 =	seq.s32 s10, $0x1;
	s10 =	sld [smem:$0x3FB6]  }
0x3d: {  	_ =	shalt  }
0x3e: {  	_ =	shalt  }
0x3f: {  	_ =	shalt  }
0x40: {  	_ =	shalt  }
0x41: {  	_ =	shalt  }
0x42: {  	_ =	shalt  }
0x43: {  	_ =	shalt  }
0x44: {  	_ =	shalt  }
0x45: {  	_ =	shalt  }
0x46: {  	_ =	shalt  }
0x47: {  	_ =	shalt  }
0x48: {  	_ =	shalt  }
0x49: {  	_ =	shalt  }
0x4a: {  	_ =	shalt  }
0x4b: {  	_ =	shalt  }
0x4c: {  	_ =	shalt  }
0x4d: {  	_ =	shalt  }
0x4e: {  	_ =	shalt  }
0x4f: {  	_ =	shalt  }
0x50: {  	_ =	shalt  }
0x51: {  	_ =	shalt  }
0x52: {  	_ =	shalt  }
0x53: {  	_ =	shalt  }
0x54: {  	_ =	shalt  }
0x55: {  	_ =	shalt  }
0x56: {  	_ =	shalt  }
0x57: {  	_ =	shalt  }
0x58: {  	_ =	shalt  }
0x59: {  	_ =	shalt  }
0x5a: {  	_ =	shalt  }
0x5b: {  	_ =	shalt  }
0x5c: {  	_ =	shalt  }
0x5d: {  	_ =	shalt  }
0x5e: {  	_ =	shalt  }
0x5f: {  	_ =	shalt  }
0x60: {  	_ =	shalt  }
0x61: {  	_ =	shalt  }
0x62: {  	_ =	shalt  }
0x63: {  	_ =	shalt  }
0x64: {  	_ =	shalt  }
0x65: {  	_ =	shalt  }
0x66: {  	_ =	shalt  }
0x67: {  	_ =	shalt  }
0x68: {  	_ =	shalt  }
0x69: {  	_ =	shalt  }
0x6a: {  	_ =	shalt  }
0x6b: {  	_ =	shalt  }
0x6c: {  	_ =	shalt  }
0x6d: {  	_ =	shalt  }
0x6e: {  	_ =	shalt  }
0x6f: {  	_ =	shalt  }
0x70: {  	_ =	shalt  }
0x71: {  	_ =	shalt  }
0x72: {  	_ =	shalt  }
0x73: {  	_ =	shalt  }
0x74: {  	_ =	shalt  }
0x75: {  	_ =	shalt  }
0x76: {  	_ =	shalt  }
0x77: {  	_ =	shalt  }
0x78: {  	_ =	shalt  }
0x79: {  	_ =	shalt  }
0x7a: {  	_ =	shalt  }
0x7b: {  	_ =	shalt  }
0x7c: {  	_ =	shalt  }
0x7d: {  	_ =	shalt  }
0x7e: {  	_ =	shalt  }
0x7f: {  	_ =	shalt  }
0x80: {  	_ =	shalt  }
0x81: {  	_ =	shalt  }
0x82: {  	_ =	shalt  }
0x83: {  	_ =	shalt  }
0x84: {  	_ =	shalt  }
0x85: {  	_ =	shalt  }
0x86: {  	_ =	shalt  }
0x87: {  	_ =	shalt  }
.Lfunc_end0:
.L_simem_size_0:
called_computation.1_lowered:
.L_overlay_start_0:
0x88: {  	s2 =	sld [smem:$0x3FD9]  }
0x89: {  	s3 =	sld [smem:$0x3FFE];
	_ =	sdelay $0x1  }
0x8a: {  	s1 =	srdreg.scid  }
0x8b: {  	s0 =	sand.u32 $0x1, s1  }
0x8c: {  	s17 =	sshll.u32 s0, $0xA;
	s2 =	sadd.s32 s3, s2  }
0x8d: {  	s2 =	sadd.s32 s2, s17  }
0x8e: {  	[smem:$0x3FC2] =	sst s2  }
0x8f: {  	_ = 	snop  }
0x90: {  	s2 =	sld [smem:$0x3FD0];
	(tm) =	ssettm $0x1  }
0x91: {  	s18 =	sld [smem:$0x3FFB];
	_ =	sdelay $0x3  }
0x92: {  	_ =	strace s18  }
0x93: {  	s3 =	sld [smem:$0x3FFC];
	_ =	sdelay $0x3  }
0x94: {  	_ =	strace s3  }
0x95: {  	s3 =	sld [smem:$0x3FFD];
	_ =	sdelay $0x3  }
0x96: {  	_ =	strace s3  }
0x97: {  	_ =	strace $0x8FFFFFFF  }
0x98: {  	s19 =	sld [smem:$0x3FDB];
	_ =	sdelay $0x1  }
0x99: {  	s4 =	simm.s32 $_scs_section_size  }
0x9a: {  	s5 =	simm.s32 $_size__tile_overlayer_lowered;
	s6 =	simm.s32 $_tile_overlayer_lowered  }
0x9b: {  	s22 =	simm.s32 $0x1BFF;
	s21 =	sshll.u32 s6, $0x1;
	s3 =	sadd.s32 s4, s19  }
0x9c: {  	s7 =	simm.s32 $0x0;
	s20 =	sshll.u32 s5, $0x1;
	s5 =	sadd.s32 s21, s3  }
0x9d: {  	[timem:s7], [sflag:s22] =	dma.local [hbm:s5], s20  }
0x9e: {  	_ =	swait.ge [sflag:s22], s20  }
0x9f: {  	s4 =	ssub.s32 $0x0, s20;
	[sflag:s22] =	ssyncset.done $0x0  }
0xa0: {  	[sflag:s22] =	ssyncadd.s32 s4;
	_ =	sdelay $0x1  }
0xa1: {  	s23 =	simm.s32 $0x1B8B  }
0xa2: {  	_ =	swait.ge [sflag:s23], $0x1  }
0xa3: {  	[sflag:s23] =	ssyncset.done $0x0  }
0xa4: {  	s25 =	simm.s32 $0x1B8E;
	s24 =	sld [smem:$0x3FFE];
	[sflag:s23] =	ssyncadd.s32 $0xFFFFFFFF  }
0xa5: {  	s26 =	simm.s32 $execute0_lowered;
	[smem:$0x3FD2] =	sst s25  }
0xa6: {  	s5 =	sshll.u32 s26, $0x1;
	_ =	strace $0x80000049;
	[dreg:$0x1] =	wrdreg $0xFFFFFFFF  }
0xa7: {  	s28 =	simm.s32 $_size_execute0_lowered;
	s3 =	sadd.s32 s3, s5;
	[dreg:$0x0] =	wrdreg $0x0  }
0xa8: {  	s5 =	sshll.u32 s28, $0x1;
	[dreg:$0x2] =	wrdreg s3  }
0xa9: {  	[dreg:$0x3] =	wrdreg s5  }
0xaa: {  	[dreg:$0x4] =	wrdreg $0xC0  }
0xab: {  	_ =	task [dreg:s7], $0x5FFFF  }
0xac: {  	[dreg:$0x1] =	wrdreg $0xFFFFFFFF  }
0xad: {  	[dreg:$0x0] =	wrdreg $0x60  }
0xae: {  	[dreg:$0x2] =	wrdreg s2  }
0xaf: {  	[dreg:$0x3] =	wrdreg s24  }
0xb0: {  	[dreg:$0x4] =	wrdreg $0x72000  }
0xb1: {  	[dreg:$0x5] =	wrdreg $0x9  }
0xb2: {  	_ =	task.clear_ibuf [dreg:s7], $0x6FFFF;
	_ =	strace $0x90000049  }
0xb3: {  	s29 =	simm.s32 $0x9;
	_ =	strace $0x8000004B  }
0xb4: {  	_ =	swait.ge [sflag:s29], $0x1  }
0xb5: {  	[sflag:s29] =	ssyncadd.s32 $0xFFFFFFFF  }
0xb6: {  	_ =	strace $0x9000004B  }
0xb7: {  	_ =	sfence  }
0xb8: {  	s30 =	sld [smem:$0x0];
	_ =	sdelay $0x2  }
0xb9: {  	s31 =	sshll.u32 s1, $0xD;
	s1 =	sshrl.u32 s1, $0x2  }
0xba: {  	s3 =	sand.u32 $0x4000, s31;
	s1 =	sadd.s32 s1, s30  }
0xbb: {  	s0 =	sor.u32 s3, s0;
	s1 =	sshll.u32 s1, $0x11  }
0xbc: {  	s0 =	sor.u32 s1, s0  }
0xbd: {  	s0 =	sadd.s32 $0x8F2B, s0  }
0xbe: {  	[sflag:s0] =	ssyncadd.remote.s32 $0x1  }
0xbf: {  	_ =	sfence.sel $0xFFFF  }
0xc0: {  	[dreg:$0x0] =	wrdreg $0xFFFFFFFF;
	(pc) =	sbr.abs _section_cstart, $3  }
0xc1: {  	[dreg:$0x1] =	wrdreg $0xFFFFFFFF  }
0xc2: {  	_ =	task.clear_ibuf [dreg:s7], $0x2FFFF;
	_ =	strace $0x9FFFFFFF  }
0xc3: {  	(tm) =	ssettm $0x7FFFFFFF  }
tec
execute0_lowered:
.L_overlay_start_1:
0x0: {  	(tag) =	ssettag $0x1  }
0x1: {  	s1 =	rddreg [dreg:$0x0]  }
0x2: {  	s0 =	rddreg [dreg:$0x1]  }
0x3: {  	s2 =	rddreg [dreg:$0x2];
	s3 =	srdreg.scid  }
0x4: {  	s4 =	simm.s32 $0x0;
	s10 =	stileid.u32;
	s28 =	simm.s32 $0x2A00  }
0x5: {  	s29 =	simm.s32 $0x80;
	s30 =	simm.s32 $0x2;
	s7 =	smul.u32 $0x14000, s10  }
0x6: {  	s31 =	simm.s32 $0x180;
	s3 =	sand.u32 $0x1, s3;
	s22 =	smul.u32 $0x50000, s10  }
0x7: {  	[smem:$0x7FF] =	sst s4;
	s5 =	sadd.s32 $0x3400, s0;
	s24 =	smul.u32 $0xFA00, s10  }
0x8: {  	s8 =	sshll.u32 s10, $0x1;
	s6 =	smul.u32 $0x140000, s3;
	_ =	strace $0x8000004A  }
0x9: {  	s21 =	sor.u32 s3, s8;
	s9 =	ssub.s32 $0x2, s3;
	s3 =	smul.u32 $0x7D00, s3  }
0xa: {  	s23 =	sshrl.u32 s9, $0x1;
	s8 =	sshrl.u32 s22, $0x2;
	s22 =	simm.s32 $0x3  }
0xb: {  	s6 =	sadd.s32 s7, s6;
	s7 =	smul.u32 $0x7D00, s21;
	s9 =	ssub.s32 s9, s23  }
0xc: {  	s21 =	simm.s32 $0x5200;
	s23 =	simm.s32 $0x50;
	s6 =	sshrl.u32 s6, $0x3  }
0xd: {  	s25 =	smax.u32 s9, $0x1;
	s0 =	sadd.s32 s6, s0;
	s6 =	sadd.s32 s8, s2  }
0xe: {  	s7 =	sshrl.u32 s7, $0x3;
	[dreg:$0x6] =	wrdreg s25;
	s25 =	simm.s32 $0x100  }
0xf: {  	s7 =	sadd.s32 s1, s7;
	s0 =	sadd.s32 $0x53400, s0;
	s10 =	sadd.s32 $0x2000, s6  }
0x10: {  	s11 =	sadd.s32 $0x4000, s6;
	s12 =	sadd.s32 $0x6000, s6;
	s13 =	sadd.s32 $0x8000, s6  }
0x11: {  	s14 =	sadd.s32 $0xA000, s6;
	s15 =	sadd.s32 $0xC000, s6;
	s16 =	sadd.s32 $0xE000, s6  }
0x12: {  	s17 =	sadd.s32 $0x10000, s6;
	[dreg:$0x5] =	wrdreg s0;
	s0 =	sadd.s32 s3, s24  }
0x13: {  	s18 =	sadd.s32 $0x12000, s6;
	[dreg:$0x4] =	wrdreg s7;
	s3 =	sadd.s32 $0x100, s0  }
0x14: {  	s24 =	simm.s32 $0x200;
	s7 =	sadd.s32 $0x200, s0;
	s26 =	sshrl.u32 s3, $0x3  }
0x15: {  	v0 =	vimm.f32 $0.0e+00;
	s0 =	simm.s32 $0x0;
	s20 =	sadd.s32 s26, s1;
	s26 =	simm.s32 $0x1  }
.LBB2_1:
0x16: {  	s3 =	sand.u32 $0x7E00, s4  }
0x17: {  	s8 =	sand.u32 $0x70, s4;
	s19 =	sshrl.u32 s3, $0x2  }
0x18: {  	s3 =	simm.s32 $0x40;
	s8 =	sor.u32 s8, s19;
	s19 =	simm.s32 $0x0  }
.LBB2_2:
0x19: {  	p0 =	sne.s32 s3, $0x7FC0  }
0x1a: {  	[tilespmem:s8+$0x5200] =	vst v0;
	s19 =	sadd.s32 $0x10, s19;
	s8 =	smov.u32 s3;
	s3 =	sadd.s32 $0x40, s3  }
.Ltmp0:
0x1b: {  	(pc) =	sbr.rel @p0 .LBB2_2-.Ltmp0, $4  }
0x1c: {  	_ = 	snop  }
0x1d: {  	s8 =	sand.u32 $0x7E00, s8  }
0x1e: {  	s9 =	sand.u32 $0x70, s19;
	s8 =	sshrl.u32 s8, $0x2  }
0x1f: {  	s8 =	sor.u32 s9, s8  }
0x20: {  	[tilespmem:s8+$0x5200] =	vst v0  }
0x21: {  	[spmem:s6] =	stream.linear.scatter [tilespmem:s21], [sflag:$0x3], $0x2000, $0x38;
	[tilespmem:$0x1B200] =	vst v63  }
0x22: {  	_ =	swait.ge [sflag:s22], $0x2000  }
0x23: {  	[sflag:s22] =	ssyncset.done $0x0  }
0x24: {  	[sflag:s22] =	ssyncadd.s32 $0xFFFFE000  }
0x25: {  	[spmem:s10] =	stream.linear.scatter [tilespmem:s21], [sflag:$0x3], $0x2000, $0x38;
	[tilespmem:$0x1B200] =	vst v63  }
0x26: {  	_ =	swait.ge [sflag:s22], $0x2000  }
0x27: {  	[sflag:s22] =	ssyncset.done $0x0  }
0x28: {  	[sflag:s22] =	ssyncadd.s32 $0xFFFFE000  }
0x29: {  	[spmem:s11] =	stream.linear.scatter [tilespmem:s21], [sflag:$0x3], $0x2000, $0x38;
	[tilespmem:$0x1B200] =	vst v63  }
0x2a: {  	_ =	swait.ge [sflag:s22], $0x2000  }
0x2b: {  	[sflag:s22] =	ssyncset.done $0x0  }
0x2c: {  	[sflag:s22] =	ssyncadd.s32 $0xFFFFE000  }
0x2d: {  	[spmem:s12] =	stream.linear.scatter [tilespmem:s21], [sflag:$0x3], $0x2000, $0x38;
	[tilespmem:$0x1B200] =	vst v63  }
0x2e: {  	_ =	swait.ge [sflag:s22], $0x2000  }
0x2f: {  	[sflag:s22] =	ssyncset.done $0x0  }
0x30: {  	[sflag:s22] =	ssyncadd.s32 $0xFFFFE000  }
0x31: {  	[spmem:s13] =	stream.linear.scatter [tilespmem:s21], [sflag:$0x3], $0x2000, $0x38;
	[tilespmem:$0x1B200] =	vst v63  }
0x32: {  	_ =	swait.ge [sflag:s22], $0x2000  }
0x33: {  	[sflag:s22] =	ssyncset.done $0x0  }
0x34: {  	[sflag:s22] =	ssyncadd.s32 $0xFFFFE000  }
0x35: {  	[spmem:s14] =	stream.linear.scatter [tilespmem:s21], [sflag:$0x3], $0x2000, $0x38;
	[tilespmem:$0x1B200] =	vst v63  }
0x36: {  	_ =	swait.ge [sflag:s22], $0x2000  }
0x37: {  	[sflag:s22] =	ssyncset.done $0x0  }
0x38: {  	[sflag:s22] =	ssyncadd.s32 $0xFFFFE000  }
0x39: {  	[spmem:s15] =	stream.linear.scatter [tilespmem:s21], [sflag:$0x3], $0x2000, $0x38;
	[tilespmem:$0x1B200] =	vst v63  }
0x3a: {  	_ =	swait.ge [sflag:s22], $0x2000  }
0x3b: {  	[sflag:s22] =	ssyncset.done $0x0  }
0x3c: {  	[sflag:s22] =	ssyncadd.s32 $0xFFFFE000  }
0x3d: {  	[spmem:s16] =	stream.linear.scatter [tilespmem:s21], [sflag:$0x3], $0x2000, $0x38;
	[tilespmem:$0x1B200] =	vst v63  }
0x3e: {  	_ =	swait.ge [sflag:s22], $0x2000  }
0x3f: {  	[sflag:s22] =	ssyncset.done $0x0  }
0x40: {  	[sflag:s22] =	ssyncadd.s32 $0xFFFFE000  }
0x41: {  	[spmem:s17] =	stream.linear.scatter [tilespmem:s21], [sflag:$0x3], $0x2000, $0x38;
	[tilespmem:$0x1B200] =	vst v63  }
0x42: {  	_ =	swait.ge [sflag:s22], $0x2000  }
0x43: {  	[sflag:s22] =	ssyncset.done $0x0  }
0x44: {  	[sflag:s22] =	ssyncadd.s32 $0xFFFFE000  }
0x45: {  	[spmem:s18] =	stream.linear.scatter [tilespmem:s21], [sflag:$0x3], $0x2000, $0x38;
	[tilespmem:$0x1B200] =	vst v63  }
0x46: {  	_ =	swait.ge [sflag:s22], $0x2000  }
0x47: {  	[sflag:s22] =	ssyncset.done $0x0  }
0x48: {  	[sflag:s22] =	ssyncadd.s32 $0xFFFFE000  }
0x49: {  	[bflag:$0x0] =	sbarrier.arrive $0xFFFF  }
0x4a: {  	s3 =	simm.s32 $0x0;
	s19 =	rddreg [dreg:$0x4]  }
0x4b: {  	[tilespmem:s3], [sflag:$0x3] =	stream.linear.gather [hbm4b:s19+s3], $0x100, $0x38;
	[tilespmem:$0x1B200] =	vst v63  }
0x4c: {  	_ =	swait.ge [sflag:s22], $0x100  }
0x4d: {  	[sflag:s22] =	ssyncset.done $0x0  }
0x4e: {  	[sflag:s22] =	ssyncadd.s32 $0xFFFFFF00  }
0x4f: {  	[tilespmem:s24], [sflag:$0x1] =	stream.indirect.gather [hbm4b:s5+s23], $0x80, s3, s23, $0xb8;
	[tilespmem:$0x1B200] =	vst v63  }
0x50: {  	s9 =	sadd.s32 $0x0, s20  }
0x51: {  	[tilespmem:s25], [sflag:$0x3] =	stream.linear.gather [hbm4b:s9+s4], $0x100, $0x38;
	[tilespmem:$0x1B200] =	vst v63  }
0x52: {  	_ =	swait.ge [sflag:s22], $0x100  }
0x53: {  	[sflag:s22] =	ssyncset.done $0x0  }
0x54: {  	[sflag:s22] =	ssyncadd.s32 $0xFFFFFF00  }
0x55: {  	_ =	swait.ge [sflag:s26], $0x2800  }
0x56: {  	[sflag:s26] =	ssyncset.done $0x0  }
0x57: {  	[sflag:s26] =	ssyncadd.s32 $0xFFFFD800  }
0x58: {  	[tilespmem:s28], [sflag:$0x2] =	stream.indirect.gather [hbm4b:s5+s23], $0x80, s25, s23, $0xb8;
	[tilespmem:$0x1B200] =	vst v63  }
0x59: {  	_ = 	snop  }
0x5a: {  	[spmem:s2] =	stream.indirect.scatter.add.f32 [tilespmem:s24], [sflag:$0x3], $0x80, s29, s23, $0xb8;
	[tilespmem:$0x1B200] =	vst v63  }
0x5b: {  	_ =	swait.ge [sflag:s22], $0x2800  }
0x5c: {  	s19 =	sshrl.u32 s7, $0x3;
	[sflag:s22] =	ssyncset.done $0x0  }
0x5d: {  	s3 =	sadd.s32 s1, s19;
	[sflag:s22] =	ssyncadd.s32 $0xFFFFD800  }
0x5e: {  	[tilespmem:s4], [sflag:$0x3] =	stream.linear.gather [hbm4b:s3+s4], $0x100, $0x38;
	[tilespmem:$0x1B200] =	vst v63  }
0x5f: {  	_ =	swait.ge [sflag:s22], $0x100  }
0x60: {  	[sflag:s22] =	ssyncset.done $0x0  }
0x61: {  	[sflag:s22] =	ssyncadd.s32 $0xFFFFFF00  }
0x62: {  	_ =	swait.ge [sflag:s30], $0x2800  }
0x63: {  	[sflag:s30] =	ssyncset.done $0x0  }
0x64: {  	[sflag:s30] =	ssyncadd.s32 $0xFFFFD800  }
0x65: {  	[tilespmem:s24], [sflag:$0x1] =	stream.indirect.gather [hbm4b:s5+s23], $0x80, s4, s23, $0xb8;
	[tilespmem:$0x1B200] =	vst v63  }
0x66: {  	_ = 	snop  }
0x67: {  	[spmem:s2] =	stream.indirect.scatter.add.f32 [tilespmem:s28], [sflag:$0x3], $0x80, s31, s23, $0xb8;
	[tilespmem:$0x1B200] =	vst v63  }
0x68: {  	_ =	swait.ge [sflag:s22], $0x2800  }
0x69: {  	s19 =	smov.u32 s7;
	s3 =	simm.s32 $0x40;
	[sflag:s22] =	ssyncset.done $0x0  }
.LBB2_4:
0x6a: {  	p0 =	sne.s32 s3, $0xF40;
	[sflag:s22] =	ssyncadd.s32 $0xFFFFD800;
	s19 =	sadd.s32 $0x200, s19  }
0x6b: {  	s8 =	sadd.s32 s3, s20;
	s3 =	sadd.s32 $0x40, s3  }
0x6c: {  	[tilespmem:s25], [sflag:$0x3] =	stream.linear.gather [hbm4b:s8+s4], $0x100, $0x38;
	[tilespmem:$0x1B200] =	vst v63  }
0x6d: {  	_ =	swait.ge [sflag:s22], $0x100  }
0x6e: {  	[sflag:s22] =	ssyncset.done $0x0  }
0x6f: {  	[sflag:s22] =	ssyncadd.s32 $0xFFFFFF00  }
0x70: {  	_ =	swait.ge [sflag:s26], $0x2800  }
0x71: {  	[sflag:s26] =	ssyncset.done $0x0  }
0x72: {  	[sflag:s26] =	ssyncadd.s32 $0xFFFFD800  }
0x73: {  	[tilespmem:s28], [sflag:$0x2] =	stream.indirect.gather [hbm4b:s5+s23], $0x80, s25, s23, $0xb8;
	[tilespmem:$0x1B200] =	vst v63  }
0x74: {  	_ = 	snop  }
0x75: {  	[spmem:s2] =	stream.indirect.scatter.add.f32 [tilespmem:s24], [sflag:$0x3], $0x80, s29, s23, $0xb8;
	[tilespmem:$0x1B200] =	vst v63  }
0x76: {  	_ =	swait.ge [sflag:s22], $0x2800  }
0x77: {  	s8 =	sshrl.u32 s19, $0x3;
	[sflag:s22] =	ssyncset.done $0x0  }
0x78: {  	s8 =	sadd.s32 s1, s8;
	[sflag:s22] =	ssyncadd.s32 $0xFFFFD800  }
0x79: {  	[tilespmem:s4], [sflag:$0x3] =	stream.linear.gather [hbm4b:s8+s4], $0x100, $0x38;
	[tilespmem:$0x1B200] =	vst v63  }
0x7a: {  	_ =	swait.ge [sflag:s22], $0x100  }
0x7b: {  	[sflag:s22] =	ssyncset.done $0x0  }
0x7c: {  	[sflag:s22] =	ssyncadd.s32 $0xFFFFFF00  }
0x7d: {  	_ =	swait.ge [sflag:s30], $0x2800  }
0x7e: {  	[sflag:s30] =	ssyncset.done $0x0  }
0x7f: {  	[sflag:s30] =	ssyncadd.s32 $0xFFFFD800  }
0x80: {  	[tilespmem:s24], [sflag:$0x1] =	stream.indirect.gather [hbm4b:s5+s23], $0x80, s4, s23, $0xb8;
	[tilespmem:$0x1B200] =	vst v63  }
.Ltmp1:
0x81: {  	_ = 	snop;
	(pc) =	sbr.rel @p0 .LBB2_4-.Ltmp1, $4  }
0x82: {  	_ = 	snop  }
0x83: {  	[spmem:s2] =	stream.indirect.scatter.add.f32 [tilespmem:s28], [sflag:$0x3], $0x80, s31, s23, $0xb8;
	[tilespmem:$0x1B200] =	vst v63  }
0x84: {  	_ =	swait.ge [sflag:s22], $0x2800  }
0x85: {  	[sflag:s22] =	ssyncset.done $0x0  }
0x86: {  	[sflag:s22] =	ssyncadd.s32 $0xFFFFD800  }
0x87: {  	_ =	swait.ge [sflag:s26], $0x2800  }
0x88: {  	[sflag:s26] =	ssyncset.done $0x0  }
0x89: {  	[sflag:s26] =	ssyncadd.s32 $0xFFFFD800  }
0x8a: {  	[spmem:s2] =	stream.indirect.scatter.add.f32 [tilespmem:s24], [sflag:$0x3], $0x80, s29, s23, $0xb8;
	[tilespmem:$0x1B200] =	vst v63  }
0x8b: {  	_ =	swait.ge [sflag:s22], $0x2800  }
0x8c: {  	[sflag:s22] =	ssyncset.done $0x0  }
0x8d: {  	s3 =	stileid.u32;
	[sflag:s22] =	ssyncadd.s32 $0xFFFFD800  }
0x8e: {  	s3 =	sshll.u32 s3, $0x6;
	[bflag:$0x0] =	sbarrier.arrive $0xFFFF  }
0x8f: {  	s8 =	sshrl.u32 s6, $0x3;
	s3 =	sor.u32 $0x1C03, s3;
	s9 =	rddreg [dreg:$0x5]  }
0x90: {  	[hbm:s9], [sflag:s3] =	dma.local [spmem:s8], $0x2800  }
0x91: {  	_ =	swait.ge [sflag:s22], $0x2800  }
0x92: {  	s0 =	sadd.s32 $0x1, s0;
	s19 =	rddreg [dreg:$0x6]  }
0x93: {  	p0 =	sne.s32 s0, s19  }
.Ltmp2:
0x94: {  	_ = 	snop;
	(pc) =	sbr.rel @p0 .LBB2_1-.Ltmp2, $3  }
0x95: {  	_ =	sdelay $0x1  }
0x96: {  	[sflag:s22] =	ssyncset.done $0x0  }
0x97: {  	[sflag:s22] =	ssyncadd.s32 $0xFFFFD800  }
0x98: {  	_ =	sfence.sel $0x180000  }
0x99: {  	[bflag:$0x0] =	sbarrier.arrive $0xFFFF  }
0x9a: {  	_ =	strace $0x9000004A  }
0x9b: {  	s0 =	stileid.u32;
	[bflag:$0x2] =	sbarrier.arrive $0xFFFF  }
0x9c: {  	p0 =	sne.s32 s0, $0x0;
	s0 =	rddreg [dreg:$0x3]  }
0x9d: {  	s0 =	sadd.s32 @!p0 $0x100000, s0  }
0x9e: {  	[sflag:s0] =	ssyncadd.tile.s32 @!p0 $0x1;
	_ =	shalt  }
.Lfunc_end2:
_tile_overlayer_lowered:
.L_overlay_start_2:
0x9f: {  	(tag) =	ssettag $0x2  }
0xa0: {  	s0 =	rddreg [dreg:$0x0];
	s2 =	stileid.u32  }
0xa1: {  	s1 =	rddreg [dreg:$0x1];
	p0 =	sne.s32 s2, $0x0  }
0xa2: {  	s3 =	rddreg [dreg:$0x2];
	[bflag:$0x3] =	sbarrier.arrive $0xFFFF;
	s2 =	simm.s32 @!p0 $0x1C03  }
0xa3: {  	[timem:s3], [sflag:s2] =	dma.local @!p0 [hbm:s0], s1  }
0xa4: {  	s0 =	simm.s32 @!p0 $0x3  }
0xa5: {  	_ =	swait.ge @!p0 [sflag:s0], s1  }
0xa6: {  	s1 =	ssub.s32 @!p0 $0x0, s1;
	[sflag:s0] =	ssyncset.done @!p0 $0x0  }
0xa7: {  	[sflag:s0] =	ssyncadd.s32 @!p0 s1  }
0xa8: {  	[bflag:$0x3] =	sbarrier.arrive $0xFFFF  }
0xa9: {  	_ =	shalt  }

// kernel: _run.15.cloned.1.call-start
scs
__scs_entry_jumppad:
0x0: {  	(pc) =	sbr.rel $0x88, $3  }
0x1: {  	(tag) =	ssettag $0x0;
	lr =	simm.s32 $0x1  }
0x2: {  	[smem:$0x3F9B] =	sst lr;
	_ =	strace $0xD0000000  }
0x3: {  	_ = 	snop  }
0x4: {  	_ = 	snop  }
0x5: {  	_ = 	snop  }
0x6: {  	_ = 	snop  }
0x7: {  	_ = 	snop  }
__scs_overlays_trampoline_lowered:
0x8: {  	[smem:$0x3FAA] =	sst s0  }
0x9: {  	[smem:$0x3FAB] =	sst s1  }
0xa: {  	[smem:$0x3FAC] =	sst s2  }
0xb: {  	[smem:$0x3FAD] =	sst s3  }
0xc: {  	[smem:$0x3FAE] =	sst s4  }
0xd: {  	[smem:$0x3FAF] =	sst s5  }
0xe: {  	[smem:$0x3FB0] =	sst s6  }
0xf: {  	[smem:$0x3FB1] =	sst s7  }
0x10: {  	[smem:$0x3FB2] =	sst s8  }
0x11: {  	[smem:$0x3FB3] =	sst s9;
	s0 =	simm.s32 @!p0 $0x0  }
0x12: {  	s1 =	sld [smem:$0x3F99];
	s0 =	simm.s32 @p0 $0x1  }
0x13: {  	[smem:$0x3FB4] =	sst s0;
	s0 =	simm.s32 @!p1 $0x0  }
0x14: {  	s2 =	sld [smem:$0x3F98];
	s0 =	simm.s32 @p1 $0x1  }
0x15: {  	[smem:$0x3FB5] =	sst s0;
	s0 =	simm.s32 @!p2 $0x0  }
0x16: {  	s3 =	sld [smem:$0x3FDB];
	s0 =	simm.s32 @p2 $0x1  }
0x17: {  	s4 =	simm.s32 $0x1BF5;
	[smem:$0x3FB7] =	sst s0  }
0x18: {  	s0 =	sld [smem:$0x3F9A];
	_ =	swait.ge [sflag:s4], $0x0  }
0x19: {  	s7 =	sld [smem:$0x3F9B]  }
0x1a: {  	s8 =	sadd.s32 $0xFFFFE003, lr  }
0x1b: {  	s9 =	sadd.s32 $0xFFFFFEF7, lr;
	s5 =	simm.s32 $0xFFFFFFFF;
	p2 =	slt.u32 s8, $0xFFFFF086  }
0x1c: {  	p1 =	slt.u32 s9, $0xF7A;
	s5 =	simm.s32 @!p2 $0x0  }
0x1d: {  	s5 =	simm.s32 @p1 $0x1;
	p0 =	seq.s32 s7, s2  }
0x1e: {  	s7 =	smul.u32 @!p0 $0xF7A, s2;
	p2 =	seq.s32 @!p0 s5, $0x0  }
0x1f: {  	s9 =	smul.u32 $0xF7A, s1;
	s8 =	simm.s32 @!p0 $0x1BF5;
	p2 =	por !p2, p0  }
0x20: {  	[sflag:s8] =	ssyncset.s32 @!p0 $0xFFFFF086;
	s6 =	sadd.s32 @!p0 s3, s7;
	s7 =	simm.s32 @!p0 $0x108  }
0x21: {  	s3 =	sadd.s32 s3, s9;
	s6 =	sadd.s32 @!p0 $0x88, s6;
	s7 =	simm.s32 @p2 $0x1082  }
0x22: {  	[simem:s7], [sflag:s8] =	dma.local @!p0 [hbm:s6], $0xF7A  }
0x23: {  	s9 =	sor.u32 $0xD0000000, s2;
	s6 =	simm.s32 $0x108;
	_ =	swait.ge @!p0 [sflag:s8], $0x0  }
0x24: {  	s3 =	sadd.s32 $0x88, s3;
	s6 =	simm.s32 @!p1 $0x1082;
	[sflag:s4] =	ssyncset.s32 $0xFFFFF086  }
0x25: {  	[simem:s6], [sflag:s4] =	dma.local [hbm:s3], $0xF7A  }
0x26: {  	[smem:$0x3F9B] =	sst s1;
	(tag) =	ssettag s2;
	_ =	strace s9  }
0x27: {  	s1 =	sld [smem:$0x3FAB]  }
0x28: {  	s2 =	sld [smem:$0x3FAC]  }
0x29: {  	s4 =	sld [smem:$0x3FAE]  }
0x2a: {  	p0 =	seq.s32 s5, $0x0;
	s5 =	sld [smem:$0x3FAF]  }
0x2b: {  	s6 =	sld [smem:$0x3FB0]  }
0x2c: {  	s7 =	sld [smem:$0x3FB1]  }
0x2d: {  	s3 =	simm.s32 $0x108;
	s8 =	sld [smem:$0x3FB2]  }
0x2e: {  	s3 =	simm.s32 @!p0 $0x1082;
	s9 =	sld [smem:$0x3FB3]  }
0x2f: {  	lr =	sadd.s32 s0, s3;
	s0 =	sld [smem:$0x3FAA]  }
0x30: {  	s3 =	sld [smem:$0x3FAD]  }
0x31: {  	[smem:$0x3FB6] =	sst s10  }
0x32: {  	s10 =	sld [smem:$0x3FB4];
	_ =	sdelay $0x3  }
0x33: {  	p0 =	seq.s32 s10, $0x1;
	s10 =	sld [smem:$0x3FB6];
	_ =	sdelay $0x3  }
0x34: {  	[smem:$0x3FB6] =	sst s10  }
0x35: {  	s10 =	sld [smem:$0x3FB5];
	_ =	sdelay $0x3  }
0x36: {  	p1 =	seq.s32 s10, $0x1;
	s10 =	sld [smem:$0x3FB6];
	_ =	sdelay $0x3  }
0x37: {  	[smem:$0x3FB6] =	sst s10  }
0x38: {  	s10 =	sld [smem:$0x3FB7]  }
0x39: {  	_ = 	snop;
	(pc) =	sbr.ind lr, $3  }
0x3a: {  	_ = 	snop  }
0x3b: {  	_ = 	snop  }
0x3c: {  	p2 =	seq.s32 s10, $0x1;
	s10 =	sld [smem:$0x3FB6]  }
0x3d: {  	_ =	shalt  }
0x3e: {  	_ =	shalt  }
0x3f: {  	_ =	shalt  }
0x40: {  	_ =	shalt  }
0x41: {  	_ =	shalt  }
0x42: {  	_ =	shalt  }
0x43: {  	_ =	shalt  }
0x44: {  	_ =	shalt  }
0x45: {  	_ =	shalt  }
0x46: {  	_ =	shalt  }
0x47: {  	_ =	shalt  }
0x48: {  	_ =	shalt  }
0x49: {  	_ =	shalt  }
0x4a: {  	_ =	shalt  }
0x4b: {  	_ =	shalt  }
0x4c: {  	_ =	shalt  }
0x4d: {  	_ =	shalt  }
0x4e: {  	_ =	shalt  }
0x4f: {  	_ =	shalt  }
0x50: {  	_ =	shalt  }
0x51: {  	_ =	shalt  }
0x52: {  	_ =	shalt  }
0x53: {  	_ =	shalt  }
0x54: {  	_ =	shalt  }
0x55: {  	_ =	shalt  }
0x56: {  	_ =	shalt  }
0x57: {  	_ =	shalt  }
0x58: {  	_ =	shalt  }
0x59: {  	_ =	shalt  }
0x5a: {  	_ =	shalt  }
0x5b: {  	_ =	shalt  }
0x5c: {  	_ =	shalt  }
0x5d: {  	_ =	shalt  }
0x5e: {  	_ =	shalt  }
0x5f: {  	_ =	shalt  }
0x60: {  	_ =	shalt  }
0x61: {  	_ =	shalt  }
0x62: {  	_ =	shalt  }
0x63: {  	_ =	shalt  }
0x64: {  	_ =	shalt  }
0x65: {  	_ =	shalt  }
0x66: {  	_ =	shalt  }
0x67: {  	_ =	shalt  }
0x68: {  	_ =	shalt  }
0x69: {  	_ =	shalt  }
0x6a: {  	_ =	shalt  }
0x6b: {  	_ =	shalt  }
0x6c: {  	_ =	shalt  }
0x6d: {  	_ =	shalt  }
0x6e: {  	_ =	shalt  }
0x6f: {  	_ =	shalt  }
0x70: {  	_ =	shalt  }
0x71: {  	_ =	shalt  }
0x72: {  	_ =	shalt  }
0x73: {  	_ =	shalt  }
0x74: {  	_ =	shalt  }
0x75: {  	_ =	shalt  }
0x76: {  	_ =	shalt  }
0x77: {  	_ =	shalt  }
0x78: {  	_ =	shalt  }
0x79: {  	_ =	shalt  }
0x7a: {  	_ =	shalt  }
0x7b: {  	_ =	shalt  }
0x7c: {  	_ =	shalt  }
0x7d: {  	_ =	shalt  }
0x7e: {  	_ =	shalt  }
0x7f: {  	_ =	shalt  }
0x80: {  	_ =	shalt  }
0x81: {  	_ =	shalt  }
0x82: {  	_ =	shalt  }
0x83: {  	_ =	shalt  }
0x84: {  	_ =	shalt  }
0x85: {  	_ =	shalt  }
0x86: {  	_ =	shalt  }
0x87: {  	_ =	shalt  }
.Lfunc_end0:
.L_simem_size_0:
called_computation.2_lowered:
.L_overlay_start_0:
0x88: {  	s2 =	sld [smem:$0x3FD9]  }
0x89: {  	s3 =	sld [smem:$0x3FFE];
	_ =	sdelay $0x1  }
0x8a: {  	s1 =	srdreg.scid  }
0x8b: {  	s0 =	sand.u32 $0x1, s1  }
0x8c: {  	s17 =	sshll.u32 s0, $0xA;
	s2 =	sadd.s32 s3, s2  }
0x8d: {  	s2 =	sadd.s32 s2, s17  }
0x8e: {  	[smem:$0x3FC2] =	sst s2  }
0x8f: {  	_ = 	snop  }
0x90: {  	s2 =	sld [smem:$0x3FD0];
	(tm) =	ssettm $0x1  }
0x91: {  	s18 =	sld [smem:$0x3FFB];
	_ =	sdelay $0x3  }
0x92: {  	_ =	strace s18  }
0x93: {  	s3 =	sld [smem:$0x3FFC];
	_ =	sdelay $0x3  }
0x94: {  	_ =	strace s3  }
0x95: {  	s3 =	sld [smem:$0x3FFD];
	_ =	sdelay $0x3  }
0x96: {  	_ =	strace s3  }
0x97: {  	_ =	strace $0x8FFFFFFF  }
0x98: {  	s19 =	sld [smem:$0x3FDB];
	_ =	sdelay $0x1  }
0x99: {  	s4 =	simm.s32 $_scs_section_size  }
0x9a: {  	s5 =	simm.s32 $_size__tile_overlayer_lowered;
	s6 =	simm.s32 $_tile_overlayer_lowered  }
0x9b: {  	s22 =	simm.s32 $0x1BFF;
	s21 =	sshll.u32 s6, $0x1;
	s3 =	sadd.s32 s4, s19  }
0x9c: {  	s7 =	simm.s32 $0x0;
	s20 =	sshll.u32 s5, $0x1;
	s5 =	sadd.s32 s21, s3  }
0x9d: {  	[timem:s7], [sflag:s22] =	dma.local [hbm:s5], s20  }
0x9e: {  	_ =	swait.ge [sflag:s22], s20  }
0x9f: {  	s4 =	ssub.s32 $0x0, s20;
	[sflag:s22] =	ssyncset.done $0x0  }
0xa0: {  	[sflag:s22] =	ssyncadd.s32 s4;
	_ =	sdelay $0x1  }
0xa1: {  	s23 =	simm.s32 $0x1B8B  }
0xa2: {  	_ =	swait.ge [sflag:s23], $0x1  }
0xa3: {  	[sflag:s23] =	ssyncset.done $0x0  }
0xa4: {  	s25 =	simm.s32 $0x1B8E;
	s24 =	sld [smem:$0x3FFE];
	[sflag:s23] =	ssyncadd.s32 $0xFFFFFFFF  }
0xa5: {  	s26 =	simm.s32 $execute0_lowered;
	[smem:$0x3FD2] =	sst s25  }
0xa6: {  	s5 =	sshll.u32 s26, $0x1;
	_ =	strace $0x8000004C;
	[dreg:$0x1] =	wrdreg $0xFFFFFFFF  }
0xa7: {  	s28 =	simm.s32 $_size_execute0_lowered;
	s3 =	sadd.s32 s3, s5;
	[dreg:$0x0] =	wrdreg $0x0  }
0xa8: {  	s5 =	sshll.u32 s28, $0x1;
	[dreg:$0x2] =	wrdreg s3  }
0xa9: {  	[dreg:$0x3] =	wrdreg s5  }
0xaa: {  	[dreg:$0x4] =	wrdreg $0xC0  }
0xab: {  	_ =	task [dreg:s7], $0x5FFFF  }
0xac: {  	[dreg:$0x1] =	wrdreg $0xFFFFFFFF  }
0xad: {  	[dreg:$0x0] =	wrdreg $0x60  }
0xae: {  	[dreg:$0x2] =	wrdreg s2  }
0xaf: {  	[dreg:$0x3] =	wrdreg s24  }
0xb0: {  	[dreg:$0x4] =	wrdreg $0x72000  }
0xb1: {  	[dreg:$0x5] =	wrdreg $0x9  }
0xb2: {  	_ =	task.clear_ibuf [dreg:s7], $0x6FFFF;
	_ =	strace $0x9000004C  }
0xb3: {  	s29 =	simm.s32 $0x9;
	_ =	strace $0x8000004E  }
0xb4: {  	_ =	swait.ge [sflag:s29], $0x1  }
0xb5: {  	[sflag:s29] =	ssyncadd.s32 $0xFFFFFFFF  }
0xb6: {  	_ =	strace $0x9000004E  }
0xb7: {  	_ =	sfence  }
0xb8: {  	s30 =	sld [smem:$0x0];
	_ =	sdelay $0x2  }
0xb9: {  	s31 =	sshll.u32 s1, $0xD;
	s1 =	sshrl.u32 s1, $0x2  }
0xba: {  	s3 =	sand.u32 $0x4000, s31;
	s1 =	sadd.s32 s1, s30  }
0xbb: {  	s0 =	sor.u32 s3, s0;
	s1 =	sshll.u32 s1, $0x11  }
0xbc: {  	s0 =	sor.u32 s1, s0  }
0xbd: {  	s0 =	sadd.s32 $0x8F2B, s0  }
0xbe: {  	[sflag:s0] =	ssyncadd.remote.s32 $0x1  }
0xbf: {  	_ =	sfence.sel $0xFFFF  }
0xc0: {  	[dreg:$0x0] =	wrdreg $0xFFFFFFFF;
	(pc) =	sbr.abs _section_cstart, $3  }
0xc1: {  	[dreg:$0x1] =	wrdreg $0xFFFFFFFF  }
0xc2: {  	_ =	task.clear_ibuf [dreg:s7], $0x2FFFF;
	_ =	strace $0x9FFFFFFF  }
0xc3: {  	(tm) =	ssettm $0x7FFFFFFF  }
tec
execute0_lowered:
.L_overlay_start_1:
0x0: {  	(tag) =	ssettag $0x1  }
0x1: {  	s1 =	rddreg [dreg:$0x0]  }
0x2: {  	s0 =	rddreg [dreg:$0x1]  }
0x3: {  	s2 =	rddreg [dreg:$0x2];
	s3 =	srdreg.scid  }
0x4: {  	s4 =	simm.s32 $0x0;
	s10 =	stileid.u32;
	s28 =	simm.s32 $0x2A00  }
0x5: {  	s29 =	simm.s32 $0x80;
	s30 =	simm.s32 $0x2;
	s7 =	smul.u32 $0x14000, s10  }
0x6: {  	s31 =	simm.s32 $0x180;
	s3 =	sand.u32 $0x1, s3;
	s22 =	smul.u32 $0x50000, s10  }
0x7: {  	[smem:$0x7FF] =	sst s4;
	s5 =	sadd.s32 $0x3400, s0;
	s24 =	smul.u32 $0xFA00, s10  }
0x8: {  	s8 =	sshll.u32 s10, $0x1;
	s6 =	smul.u32 $0x140000, s3;
	_ =	strace $0x8000004D  }
0x9: {  	s21 =	sor.u32 s3, s8;
	s9 =	ssub.s32 $0x2, s3;
	s3 =	smul.u32 $0x7D00, s3  }
0xa: {  	s23 =	sshrl.u32 s9, $0x1;
	s8 =	sshrl.u32 s22, $0x2;
	s22 =	simm.s32 $0x3  }
0xb: {  	s6 =	sadd.s32 s7, s6;
	s7 =	smul.u32 $0x7D00, s21;
	s9 =	ssub.s32 s9, s23  }
0xc: {  	s21 =	simm.s32 $0x5200;
	s23 =	simm.s32 $0x50;
	s6 =	sshrl.u32 s6, $0x3  }
0xd: {  	s25 =	smax.u32 s9, $0x1;
	s0 =	sadd.s32 s6, s0;
	s6 =	sadd.s32 s8, s2  }
0xe: {  	s7 =	sshrl.u32 s7, $0x3;
	[dreg:$0x6] =	wrdreg s25;
	s25 =	simm.s32 $0x100  }
0xf: {  	s7 =	sadd.s32 s1, s7;
	s0 =	sadd.s32 $0x53400, s0;
	s10 =	sadd.s32 $0x2000, s6  }
0x10: {  	s11 =	sadd.s32 $0x4000, s6;
	s12 =	sadd.s32 $0x6000, s6;
	s13 =	sadd.s32 $0x8000, s6  }
0x11: {  	s14 =	sadd.s32 $0xA000, s6;
	s15 =	sadd.s32 $0xC000, s6;
	s16 =	sadd.s32 $0xE000, s6  }
0x12: {  	s17 =	sadd.s32 $0x10000, s6;
	[dreg:$0x5] =	wrdreg s0;
	s0 =	sadd.s32 s3, s24  }
0x13: {  	s18 =	sadd.s32 $0x12000, s6;
	[dreg:$0x4] =	wrdreg s7;
	s3 =	sadd.s32 $0x100, s0  }
0x14: {  	s24 =	simm.s32 $0x200;
	s7 =	sadd.s32 $0x200, s0;
	s26 =	sshrl.u32 s3, $0x3  }
0x15: {  	v0 =	vimm.f32 $0.0e+00;
	s0 =	simm.s32 $0x0;
	s20 =	sadd.s32 s26, s1;
	s26 =	simm.s32 $0x1  }
.LBB2_1:
0x16: {  	s3 =	sand.u32 $0x7E00, s4  }
0x17: {  	s8 =	sand.u32 $0x70, s4;
	s19 =	sshrl.u32 s3, $0x2  }
0x18: {  	s3 =	simm.s32 $0x40;
	s8 =	sor.u32 s8, s19;
	s19 =	simm.s32 $0x0  }
.LBB2_2:
0x19: {  	p0 =	sne.s32 s3, $0x7FC0  }
0x1a: {  	[tilespmem:s8+$0x5200] =	vst v0;
	s19 =	sadd.s32 $0x10, s19;
	s8 =	smov.u32 s3;
	s3 =	sadd.s32 $0x40, s3  }
.Ltmp0:
0x1b: {  	(pc) =	sbr.rel @p0 .LBB2_2-.Ltmp0, $4  }
0x1c: {  	_ = 	snop  }
0x1d: {  	s8 =	sand.u32 $0x7E00, s8  }
0x1e: {  	s9 =	sand.u32 $0x70, s19;
	s8 =	sshrl.u32 s8, $0x2  }
0x1f: {  	s8 =	sor.u32 s9, s8  }
0x20: {  	[tilespmem:s8+$0x5200] =	vst v0  }
0x21: {  	[spmem:s6] =	stream.linear.scatter [tilespmem:s21], [sflag:$0x3], $0x2000, $0x38;
	[tilespmem:$0x1B200] =	vst v63  }
0x22: {  	_ =	swait.ge [sflag:s22], $0x2000  }
0x23: {  	[sflag:s22] =	ssyncset.done $0x0  }
0x24: {  	[sflag:s22] =	ssyncadd.s32 $0xFFFFE000  }
0x25: {  	[spmem:s10] =	stream.linear.scatter [tilespmem:s21], [sflag:$0x3], $0x2000, $0x38;
	[tilespmem:$0x1B200] =	vst v63  }
0x26: {  	_ =	swait.ge [sflag:s22], $0x2000  }
0x27: {  	[sflag:s22] =	ssyncset.done $0x0  }
0x28: {  	[sflag:s22] =	ssyncadd.s32 $0xFFFFE000  }
0x29: {  	[spmem:s11] =	stream.linear.scatter [tilespmem:s21], [sflag:$0x3], $0x2000, $0x38;
	[tilespmem:$0x1B200] =	vst v63  }
0x2a: {  	_ =	swait.ge [sflag:s22], $0x2000  }
0x2b: {  	[sflag:s22] =	ssyncset.done $0x0  }
0x2c: {  	[sflag:s22] =	ssyncadd.s32 $0xFFFFE000  }
0x2d: {  	[spmem:s12] =	stream.linear.scatter [tilespmem:s21], [sflag:$0x3], $0x2000, $0x38;
	[tilespmem:$0x1B200] =	vst v63  }
0x2e: {  	_ =	swait.ge [sflag:s22], $0x2000  }
0x2f: {  	[sflag:s22] =	ssyncset.done $0x0  }
0x30: {  	[sflag:s22] =	ssyncadd.s32 $0xFFFFE000  }
0x31: {  	[spmem:s13] =	stream.linear.scatter [tilespmem:s21], [sflag:$0x3], $0x2000, $0x38;
	[tilespmem:$0x1B200] =	vst v63  }
0x32: {  	_ =	swait.ge [sflag:s22], $0x2000  }
0x33: {  	[sflag:s22] =	ssyncset.done $0x0  }
0x34: {  	[sflag:s22] =	ssyncadd.s32 $0xFFFFE000  }
0x35: {  	[spmem:s14] =	stream.linear.scatter [tilespmem:s21], [sflag:$0x3], $0x2000, $0x38;
	[tilespmem:$0x1B200] =	vst v63  }
0x36: {  	_ =	swait.ge [sflag:s22], $0x2000  }
0x37: {  	[sflag:s22] =	ssyncset.done $0x0  }
0x38: {  	[sflag:s22] =	ssyncadd.s32 $0xFFFFE000  }
0x39: {  	[spmem:s15] =	stream.linear.scatter [tilespmem:s21], [sflag:$0x3], $0x2000, $0x38;
	[tilespmem:$0x1B200] =	vst v63  }
0x3a: {  	_ =	swait.ge [sflag:s22], $0x2000  }
0x3b: {  	[sflag:s22] =	ssyncset.done $0x0  }
0x3c: {  	[sflag:s22] =	ssyncadd.s32 $0xFFFFE000  }
0x3d: {  	[spmem:s16] =	stream.linear.scatter [tilespmem:s21], [sflag:$0x3], $0x2000, $0x38;
	[tilespmem:$0x1B200] =	vst v63  }
0x3e: {  	_ =	swait.ge [sflag:s22], $0x2000  }
0x3f: {  	[sflag:s22] =	ssyncset.done $0x0  }
0x40: {  	[sflag:s22] =	ssyncadd.s32 $0xFFFFE000  }
0x41: {  	[spmem:s17] =	stream.linear.scatter [tilespmem:s21], [sflag:$0x3], $0x2000, $0x38;
	[tilespmem:$0x1B200] =	vst v63  }
0x42: {  	_ =	swait.ge [sflag:s22], $0x2000  }
0x43: {  	[sflag:s22] =	ssyncset.done $0x0  }
0x44: {  	[sflag:s22] =	ssyncadd.s32 $0xFFFFE000  }
0x45: {  	[spmem:s18] =	stream.linear.scatter [tilespmem:s21], [sflag:$0x3], $0x2000, $0x38;
	[tilespmem:$0x1B200] =	vst v63  }
0x46: {  	_ =	swait.ge [sflag:s22], $0x2000  }
0x47: {  	[sflag:s22] =	ssyncset.done $0x0  }
0x48: {  	[sflag:s22] =	ssyncadd.s32 $0xFFFFE000  }
0x49: {  	[bflag:$0x0] =	sbarrier.arrive $0xFFFF  }
0x4a: {  	s3 =	simm.s32 $0x0;
	s19 =	rddreg [dreg:$0x4]  }
0x4b: {  	[tilespmem:s3], [sflag:$0x3] =	stream.linear.gather [hbm4b:s19+s3], $0x100, $0x38;
	[tilespmem:$0x1B200] =	vst v63  }
0x4c: {  	_ =	swait.ge [sflag:s22], $0x100  }
0x4d: {  	[sflag:s22] =	ssyncset.done $0x0  }
0x4e: {  	[sflag:s22] =	ssyncadd.s32 $0xFFFFFF00  }
0x4f: {  	[tilespmem:s24], [sflag:$0x1] =	stream.indirect.gather [hbm4b:s5+s23], $0x80, s3, s23, $0xb8;
	[tilespmem:$0x1B200] =	vst v63  }
0x50: {  	s9 =	sadd.s32 $0x0, s20  }
0x51: {  	[tilespmem:s25], [sflag:$0x3] =	stream.linear.gather [hbm4b:s9+s4], $0x100, $0x38;
	[tilespmem:$0x1B200] =	vst v63  }
0x52: {  	_ =	swait.ge [sflag:s22], $0x100  }
0x53: {  	[sflag:s22] =	ssyncset.done $0x0  }
0x54: {  	[sflag:s22] =	ssyncadd.s32 $0xFFFFFF00  }
0x55: {  	_ =	swait.ge [sflag:s26], $0x2800  }
0x56: {  	[sflag:s26] =	ssyncset.done $0x0  }
0x57: {  	[sflag:s26] =	ssyncadd.s32 $0xFFFFD800  }
0x58: {  	[tilespmem:s28], [sflag:$0x2] =	stream.indirect.gather [hbm4b:s5+s23], $0x80, s25, s23, $0xb8;
	[tilespmem:$0x1B200] =	vst v63  }
0x59: {  	_ = 	snop  }
0x5a: {  	[spmem:s2] =	stream.indirect.scatter.add.f32 [tilespmem:s24], [sflag:$0x3], $0x80, s29, s23, $0xb8;
	[tilespmem:$0x1B200] =	vst v63  }
0x5b: {  	_ =	swait.ge [sflag:s22], $0x2800  }
0x5c: {  	s19 =	sshrl.u32 s7, $0x3;
	[sflag:s22] =	ssyncset.done $0x0  }
0x5d: {  	s3 =	sadd.s32 s1, s19;
	[sflag:s22] =	ssyncadd.s32 $0xFFFFD800  }
0x5e: {  	[tilespmem:s4], [sflag:$0x3] =	stream.linear.gather [hbm4b:s3+s4], $0x100, $0x38;
	[tilespmem:$0x1B200] =	vst v63  }
0x5f: {  	_ =	swait.ge [sflag:s22], $0x100  }
0x60: {  	[sflag:s22] =	ssyncset.done $0x0  }
0x61: {  	[sflag:s22] =	ssyncadd.s32 $0xFFFFFF00  }
0x62: {  	_ =	swait.ge [sflag:s30], $0x2800  }
0x63: {  	[sflag:s30] =	ssyncset.done $0x0  }
0x64: {  	[sflag:s30] =	ssyncadd.s32 $0xFFFFD800  }
0x65: {  	[tilespmem:s24], [sflag:$0x1] =	stream.indirect.gather [hbm4b:s5+s23], $0x80, s4, s23, $0xb8;
	[tilespmem:$0x1B200] =	vst v63  }
0x66: {  	_ = 	snop  }
0x67: {  	[spmem:s2] =	stream.indirect.scatter.add.f32 [tilespmem:s28], [sflag:$0x3], $0x80, s31, s23, $0xb8;
	[tilespmem:$0x1B200] =	vst v63  }
0x68: {  	_ =	swait.ge [sflag:s22], $0x2800  }
0x69: {  	s19 =	smov.u32 s7;
	s3 =	simm.s32 $0x40;
	[sflag:s22] =	ssyncset.done $0x0  }
.LBB2_4:
0x6a: {  	p0 =	sne.s32 s3, $0xF40;
	[sflag:s22] =	ssyncadd.s32 $0xFFFFD800;
	s19 =	sadd.s32 $0x200, s19  }
0x6b: {  	s8 =	sadd.s32 s3, s20;
	s3 =	sadd.s32 $0x40, s3  }
0x6c: {  	[tilespmem:s25], [sflag:$0x3] =	stream.linear.gather [hbm4b:s8+s4], $0x100, $0x38;
	[tilespmem:$0x1B200] =	vst v63  }
0x6d: {  	_ =	swait.ge [sflag:s22], $0x100  }
0x6e: {  	[sflag:s22] =	ssyncset.done $0x0  }
0x6f: {  	[sflag:s22] =	ssyncadd.s32 $0xFFFFFF00  }
0x70: {  	_ =	swait.ge [sflag:s26], $0x2800  }
0x71: {  	[sflag:s26] =	ssyncset.done $0x0  }
0x72: {  	[sflag:s26] =	ssyncadd.s32 $0xFFFFD800  }
0x73: {  	[tilespmem:s28], [sflag:$0x2] =	stream.indirect.gather [hbm4b:s5+s23], $0x80, s25, s23, $0xb8;
	[tilespmem:$0x1B200] =	vst v63  }
0x74: {  	_ = 	snop  }
0x75: {  	[spmem:s2] =	stream.indirect.scatter.add.f32 [tilespmem:s24], [sflag:$0x3], $0x80, s29, s23, $0xb8;
	[tilespmem:$0x1B200] =	vst v63  }
0x76: {  	_ =	swait.ge [sflag:s22], $0x2800  }
0x77: {  	s8 =	sshrl.u32 s19, $0x3;
	[sflag:s22] =	ssyncset.done $0x0  }
0x78: {  	s8 =	sadd.s32 s1, s8;
	[sflag:s22] =	ssyncadd.s32 $0xFFFFD800  }
0x79: {  	[tilespmem:s4], [sflag:$0x3] =	stream.linear.gather [hbm4b:s8+s4], $0x100, $0x38;
	[tilespmem:$0x1B200] =	vst v63  }
0x7a: {  	_ =	swait.ge [sflag:s22], $0x100  }
0x7b: {  	[sflag:s22] =	ssyncset.done $0x0  }
0x7c: {  	[sflag:s22] =	ssyncadd.s32 $0xFFFFFF00  }
0x7d: {  	_ =	swait.ge [sflag:s30], $0x2800  }
0x7e: {  	[sflag:s30] =	ssyncset.done $0x0  }
0x7f: {  	[sflag:s30] =	ssyncadd.s32 $0xFFFFD800  }
0x80: {  	[tilespmem:s24], [sflag:$0x1] =	stream.indirect.gather [hbm4b:s5+s23], $0x80, s4, s23, $0xb8;
	[tilespmem:$0x1B200] =	vst v63  }
.Ltmp1:
0x81: {  	_ = 	snop;
	(pc) =	sbr.rel @p0 .LBB2_4-.Ltmp1, $4  }
0x82: {  	_ = 	snop  }
0x83: {  	[spmem:s2] =	stream.indirect.scatter.add.f32 [tilespmem:s28], [sflag:$0x3], $0x80, s31, s23, $0xb8;
	[tilespmem:$0x1B200] =	vst v63  }
0x84: {  	_ =	swait.ge [sflag:s22], $0x2800  }
0x85: {  	[sflag:s22] =	ssyncset.done $0x0  }
0x86: {  	[sflag:s22] =	ssyncadd.s32 $0xFFFFD800  }
0x87: {  	_ =	swait.ge [sflag:s26], $0x2800  }
0x88: {  	[sflag:s26] =	ssyncset.done $0x0  }
0x89: {  	[sflag:s26] =	ssyncadd.s32 $0xFFFFD800  }
0x8a: {  	[spmem:s2] =	stream.indirect.scatter.add.f32 [tilespmem:s24], [sflag:$0x3], $0x80, s29, s23, $0xb8;
	[tilespmem:$0x1B200] =	vst v63  }
0x8b: {  	_ =	swait.ge [sflag:s22], $0x2800  }
0x8c: {  	[sflag:s22] =	ssyncset.done $0x0  }
0x8d: {  	s3 =	stileid.u32;
	[sflag:s22] =	ssyncadd.s32 $0xFFFFD800  }
0x8e: {  	s3 =	sshll.u32 s3, $0x6;
	[bflag:$0x0] =	sbarrier.arrive $0xFFFF  }
0x8f: {  	s8 =	sshrl.u32 s6, $0x3;
	s3 =	sor.u32 $0x1C03, s3;
	s9 =	rddreg [dreg:$0x5]  }
0x90: {  	[hbm:s9], [sflag:s3] =	dma.local [spmem:s8], $0x2800  }
0x91: {  	_ =	swait.ge [sflag:s22], $0x2800  }
0x92: {  	s0 =	sadd.s32 $0x1, s0;
	s19 =	rddreg [dreg:$0x6]  }
0x93: {  	p0 =	sne.s32 s0, s19  }
.Ltmp2:
0x94: {  	_ = 	snop;
	(pc) =	sbr.rel @p0 .LBB2_1-.Ltmp2, $3  }
0x95: {  	_ =	sdelay $0x1  }
0x96: {  	[sflag:s22] =	ssyncset.done $0x0  }
0x97: {  	[sflag:s22] =	ssyncadd.s32 $0xFFFFD800  }
0x98: {  	_ =	sfence.sel $0x180000  }
0x99: {  	[bflag:$0x0] =	sbarrier.arrive $0xFFFF  }
0x9a: {  	_ =	strace $0x9000004D  }
0x9b: {  	s0 =	stileid.u32;
	[bflag:$0x2] =	sbarrier.arrive $0xFFFF  }
0x9c: {  	p0 =	sne.s32 s0, $0x0;
	s0 =	rddreg [dreg:$0x3]  }
0x9d: {  	s0 =	sadd.s32 @!p0 $0x100000, s0  }
0x9e: {  	[sflag:s0] =	ssyncadd.tile.s32 @!p0 $0x1;
	_ =	shalt  }
.Lfunc_end2:
_tile_overlayer_lowered:
.L_overlay_start_2:
0x9f: {  	(tag) =	ssettag $0x2  }
0xa0: {  	s0 =	rddreg [dreg:$0x0];
	s2 =	stileid.u32  }
0xa1: {  	s1 =	rddreg [dreg:$0x1];
	p0 =	sne.s32 s2, $0x0  }
0xa2: {  	s3 =	rddreg [dreg:$0x2];
	[bflag:$0x3] =	sbarrier.arrive $0xFFFF;
	s2 =	simm.s32 @!p0 $0x1C03  }
0xa3: {  	[timem:s3], [sflag:s2] =	dma.local @!p0 [hbm:s0], s1  }
0xa4: {  	s0 =	simm.s32 @!p0 $0x3  }
0xa5: {  	_ =	swait.ge @!p0 [sflag:s0], s1  }
0xa6: {  	s1 =	ssub.s32 @!p0 $0x0, s1;
	[sflag:s0] =	ssyncset.done @!p0 $0x0  }
0xa7: {  	[sflag:s0] =	ssyncadd.s32 @!p0 s1  }
0xa8: {  	[bflag:$0x3] =	sbarrier.arrive $0xFFFF  }
0xa9: {  	_ =	shalt  }

// kernel: _run.9.cloned.1.call-start
scs
__scs_entry_jumppad:
0x0: {  	(pc) =	sbr.rel $0x88, $3  }
0x1: {  	(tag) =	ssettag $0x0;
	lr =	simm.s32 $0x1  }
0x2: {  	[smem:$0x3F9B] =	sst lr;
	_ =	strace $0xD0000000  }
0x3: {  	_ = 	snop  }
0x4: {  	_ = 	snop  }
0x5: {  	_ = 	snop  }
0x6: {  	_ = 	snop  }
0x7: {  	_ = 	snop  }
__scs_overlays_trampoline_lowered:
0x8: {  	[smem:$0x3FAA] =	sst s0  }
0x9: {  	[smem:$0x3FAB] =	sst s1  }
0xa: {  	[smem:$0x3FAC] =	sst s2  }
0xb: {  	[smem:$0x3FAD] =	sst s3  }
0xc: {  	[smem:$0x3FAE] =	sst s4  }
0xd: {  	[smem:$0x3FAF] =	sst s5  }
0xe: {  	[smem:$0x3FB0] =	sst s6  }
0xf: {  	[smem:$0x3FB1] =	sst s7  }
0x10: {  	[smem:$0x3FB2] =	sst s8  }
0x11: {  	[smem:$0x3FB3] =	sst s9;
	s0 =	simm.s32 @!p0 $0x0  }
0x12: {  	s1 =	sld [smem:$0x3F99];
	s0 =	simm.s32 @p0 $0x1  }
0x13: {  	[smem:$0x3FB4] =	sst s0;
	s0 =	simm.s32 @!p1 $0x0  }
0x14: {  	s2 =	sld [smem:$0x3F98];
	s0 =	simm.s32 @p1 $0x1  }
0x15: {  	[smem:$0x3FB5] =	sst s0;
	s0 =	simm.s32 @!p2 $0x0  }
0x16: {  	s3 =	sld [smem:$0x3FDB];
	s0 =	simm.s32 @p2 $0x1  }
0x17: {  	s4 =	simm.s32 $0x1BF5;
	[smem:$0x3FB7] =	sst s0  }
0x18: {  	s0 =	sld [smem:$0x3F9A];
	_ =	swait.ge [sflag:s4], $0x0  }
0x19: {  	s7 =	sld [smem:$0x3F9B]  }
0x1a: {  	s8 =	sadd.s32 $0xFFFFE003, lr  }
0x1b: {  	s9 =	sadd.s32 $0xFFFFFEF7, lr;
	s5 =	simm.s32 $0xFFFFFFFF;
	p2 =	slt.u32 s8, $0xFFFFF086  }
0x1c: {  	p1 =	slt.u32 s9, $0xF7A;
	s5 =	simm.s32 @!p2 $0x0  }
0x1d: {  	s5 =	simm.s32 @p1 $0x1;
	p0 =	seq.s32 s7, s2  }
0x1e: {  	s7 =	smul.u32 @!p0 $0xF7A, s2;
	p2 =	seq.s32 @!p0 s5, $0x0  }
0x1f: {  	s9 =	smul.u32 $0xF7A, s1;
	s8 =	simm.s32 @!p0 $0x1BF5;
	p2 =	por !p2, p0  }
0x20: {  	[sflag:s8] =	ssyncset.s32 @!p0 $0xFFFFF086;
	s6 =	sadd.s32 @!p0 s3, s7;
	s7 =	simm.s32 @!p0 $0x108  }
0x21: {  	s3 =	sadd.s32 s3, s9;
	s6 =	sadd.s32 @!p0 $0x88, s6;
	s7 =	simm.s32 @p2 $0x1082  }
0x22: {  	[simem:s7], [sflag:s8] =	dma.local @!p0 [hbm:s6], $0xF7A  }
0x23: {  	s9 =	sor.u32 $0xD0000000, s2;
	s6 =	simm.s32 $0x108;
	_ =	swait.ge @!p0 [sflag:s8], $0x0  }
0x24: {  	s3 =	sadd.s32 $0x88, s3;
	s6 =	simm.s32 @!p1 $0x1082;
	[sflag:s4] =	ssyncset.s32 $0xFFFFF086  }
0x25: {  	[simem:s6], [sflag:s4] =	dma.local [hbm:s3], $0xF7A  }
0x26: {  	[smem:$0x3F9B] =	sst s1;
	(tag) =	ssettag s2;
	_ =	strace s9  }
0x27: {  	s1 =	sld [smem:$0x3FAB]  }
0x28: {  	s2 =	sld [smem:$0x3FAC]  }
0x29: {  	s4 =	sld [smem:$0x3FAE]  }
0x2a: {  	p0 =	seq.s32 s5, $0x0;
	s5 =	sld [smem:$0x3FAF]  }
0x2b: {  	s6 =	sld [smem:$0x3FB0]  }
0x2c: {  	s7 =	sld [smem:$0x3FB1]  }
0x2d: {  	s3 =	simm.s32 $0x108;
	s8 =	sld [smem:$0x3FB2]  }
0x2e: {  	s3 =	simm.s32 @!p0 $0x1082;
	s9 =	sld [smem:$0x3FB3]  }
0x2f: {  	lr =	sadd.s32 s0, s3;
	s0 =	sld [smem:$0x3FAA]  }
0x30: {  	s3 =	sld [smem:$0x3FAD]  }
0x31: {  	[smem:$0x3FB6] =	sst s10  }
0x32: {  	s10 =	sld [smem:$0x3FB4];
	_ =	sdelay $0x3  }
0x33: {  	p0 =	seq.s32 s10, $0x1;
	s10 =	sld [smem:$0x3FB6];
	_ =	sdelay $0x3  }
0x34: {  	[smem:$0x3FB6] =	sst s10  }
0x35: {  	s10 =	sld [smem:$0x3FB5];
	_ =	sdelay $0x3  }
0x36: {  	p1 =	seq.s32 s10, $0x1;
	s10 =	sld [smem:$0x3FB6];
	_ =	sdelay $0x3  }
0x37: {  	[smem:$0x3FB6] =	sst s10  }
0x38: {  	s10 =	sld [smem:$0x3FB7]  }
0x39: {  	_ = 	snop;
	(pc) =	sbr.ind lr, $3  }
0x3a: {  	_ = 	snop  }
0x3b: {  	_ = 	snop  }
0x3c: {  	p2 =	seq.s32 s10, $0x1;
	s10 =	sld [smem:$0x3FB6]  }
0x3d: {  	_ =	shalt  }
0x3e: {  	_ =	shalt  }
0x3f: {  	_ =	shalt  }
0x40: {  	_ =	shalt  }
0x41: {  	_ =	shalt  }
0x42: {  	_ =	shalt  }
0x43: {  	_ =	shalt  }
0x44: {  	_ =	shalt  }
0x45: {  	_ =	shalt  }
0x46: {  	_ =	shalt  }
0x47: {  	_ =	shalt  }
0x48: {  	_ =	shalt  }
0x49: {  	_ =	shalt  }
0x4a: {  	_ =	shalt  }
0x4b: {  	_ =	shalt  }
0x4c: {  	_ =	shalt  }
0x4d: {  	_ =	shalt  }
0x4e: {  	_ =	shalt  }
0x4f: {  	_ =	shalt  }
0x50: {  	_ =	shalt  }
0x51: {  	_ =	shalt  }
0x52: {  	_ =	shalt  }
0x53: {  	_ =	shalt  }
0x54: {  	_ =	shalt  }
0x55: {  	_ =	shalt  }
0x56: {  	_ =	shalt  }
0x57: {  	_ =	shalt  }
0x58: {  	_ =	shalt  }
0x59: {  	_ =	shalt  }
0x5a: {  	_ =	shalt  }
0x5b: {  	_ =	shalt  }
0x5c: {  	_ =	shalt  }
0x5d: {  	_ =	shalt  }
0x5e: {  	_ =	shalt  }
0x5f: {  	_ =	shalt  }
0x60: {  	_ =	shalt  }
0x61: {  	_ =	shalt  }
0x62: {  	_ =	shalt  }
0x63: {  	_ =	shalt  }
0x64: {  	_ =	shalt  }
0x65: {  	_ =	shalt  }
0x66: {  	_ =	shalt  }
0x67: {  	_ =	shalt  }
0x68: {  	_ =	shalt  }
0x69: {  	_ =	shalt  }
0x6a: {  	_ =	shalt  }
0x6b: {  	_ =	shalt  }
0x6c: {  	_ =	shalt  }
0x6d: {  	_ =	shalt  }
0x6e: {  	_ =	shalt  }
0x6f: {  	_ =	shalt  }
0x70: {  	_ =	shalt  }
0x71: {  	_ =	shalt  }
0x72: {  	_ =	shalt  }
0x73: {  	_ =	shalt  }
0x74: {  	_ =	shalt  }
0x75: {  	_ =	shalt  }
0x76: {  	_ =	shalt  }
0x77: {  	_ =	shalt  }
0x78: {  	_ =	shalt  }
0x79: {  	_ =	shalt  }
0x7a: {  	_ =	shalt  }
0x7b: {  	_ =	shalt  }
0x7c: {  	_ =	shalt  }
0x7d: {  	_ =	shalt  }
0x7e: {  	_ =	shalt  }
0x7f: {  	_ =	shalt  }
0x80: {  	_ =	shalt  }
0x81: {  	_ =	shalt  }
0x82: {  	_ =	shalt  }
0x83: {  	_ =	shalt  }
0x84: {  	_ =	shalt  }
0x85: {  	_ =	shalt  }
0x86: {  	_ =	shalt  }
0x87: {  	_ =	shalt  }
.Lfunc_end0:
.L_simem_size_0:
called_computation_lowered:
.L_overlay_start_0:
0x88: {  	s2 =	sld [smem:$0x3FD9]  }
0x89: {  	s3 =	sld [smem:$0x3FFE];
	_ =	sdelay $0x1  }
0x8a: {  	s1 =	srdreg.scid  }
0x8b: {  	s0 =	sand.u32 $0x1, s1  }
0x8c: {  	s17 =	sshll.u32 s0, $0xA;
	s2 =	sadd.s32 s3, s2  }
0x8d: {  	s2 =	sadd.s32 s2, s17  }
0x8e: {  	[smem:$0x3FC2] =	sst s2  }
0x8f: {  	_ = 	snop  }
0x90: {  	s2 =	sld [smem:$0x3FD0];
	(tm) =	ssettm $0x1  }
0x91: {  	s18 =	sld [smem:$0x3FFB];
	_ =	sdelay $0x3  }
0x92: {  	_ =	strace s18  }
0x93: {  	s3 =	sld [smem:$0x3FFC];
	_ =	sdelay $0x3  }
0x94: {  	_ =	strace s3  }
0x95: {  	s3 =	sld [smem:$0x3FFD];
	_ =	sdelay $0x3  }
0x96: {  	_ =	strace s3  }
0x97: {  	_ =	strace $0x8FFFFFFF  }
0x98: {  	s19 =	sld [smem:$0x3FDB];
	_ =	sdelay $0x1  }
0x99: {  	s4 =	simm.s32 $_scs_section_size  }
0x9a: {  	s5 =	simm.s32 $_size__tile_overlayer_lowered;
	s6 =	simm.s32 $_tile_overlayer_lowered  }
0x9b: {  	s22 =	simm.s32 $0x1BFF;
	s21 =	sshll.u32 s6, $0x1;
	s3 =	sadd.s32 s4, s19  }
0x9c: {  	s7 =	simm.s32 $0x0;
	s20 =	sshll.u32 s5, $0x1;
	s5 =	sadd.s32 s21, s3  }
0x9d: {  	[timem:s7], [sflag:s22] =	dma.local [hbm:s5], s20  }
0x9e: {  	_ =	swait.ge [sflag:s22], s20  }
0x9f: {  	s4 =	ssub.s32 $0x0, s20;
	[sflag:s22] =	ssyncset.done $0x0  }
0xa0: {  	[sflag:s22] =	ssyncadd.s32 s4;
	_ =	sdelay $0x1  }
0xa1: {  	s23 =	simm.s32 $0x1B8B  }
0xa2: {  	_ =	swait.ge [sflag:s23], $0x1  }
0xa3: {  	[sflag:s23] =	ssyncset.done $0x0  }
0xa4: {  	s25 =	simm.s32 $0x1B8E;
	s24 =	sld [smem:$0x3FFE];
	[sflag:s23] =	ssyncadd.s32 $0xFFFFFFFF  }
0xa5: {  	s26 =	simm.s32 $execute0_lowered;
	[smem:$0x3FD2] =	sst s25  }
0xa6: {  	s5 =	sshll.u32 s26, $0x1;
	_ =	strace $0x80000046;
	[dreg:$0x1] =	wrdreg $0xFFFFFFFF  }
0xa7: {  	s28 =	simm.s32 $_size_execute0_lowered;
	s3 =	sadd.s32 s3, s5;
	[dreg:$0x0] =	wrdreg $0x0  }
0xa8: {  	s5 =	sshll.u32 s28, $0x1;
	[dreg:$0x2] =	wrdreg s3  }
0xa9: {  	[dreg:$0x3] =	wrdreg s5  }
0xaa: {  	[dreg:$0x4] =	wrdreg $0xC0  }
0xab: {  	_ =	task [dreg:s7], $0x5FFFF  }
0xac: {  	[dreg:$0x1] =	wrdreg $0xFFFFFFFF  }
0xad: {  	[dreg:$0x0] =	wrdreg $0x60  }
0xae: {  	[dreg:$0x2] =	wrdreg s2  }
0xaf: {  	[dreg:$0x3] =	wrdreg s24  }
0xb0: {  	[dreg:$0x4] =	wrdreg $0x80000  }
0xb1: {  	[dreg:$0x5] =	wrdreg $0x9  }
0xb2: {  	_ =	task.clear_ibuf [dreg:s7], $0x6FFFF;
	_ =	strace $0x90000046  }
0xb3: {  	s29 =	simm.s32 $0x9;
	_ =	strace $0x80000048  }
0xb4: {  	_ =	swait.ge [sflag:s29], $0x1  }
0xb5: {  	[sflag:s29] =	ssyncadd.s32 $0xFFFFFFFF  }
0xb6: {  	_ =	strace $0x90000048  }
0xb7: {  	_ =	sfence  }
0xb8: {  	s30 =	sld [smem:$0x0];
	_ =	sdelay $0x2  }
0xb9: {  	s31 =	sshll.u32 s1, $0xD;
	s1 =	sshrl.u32 s1, $0x2  }
0xba: {  	s3 =	sand.u32 $0x4000, s31;
	s1 =	sadd.s32 s1, s30  }
0xbb: {  	s0 =	sor.u32 s3, s0;
	s1 =	sshll.u32 s1, $0x11  }
0xbc: {  	s0 =	sor.u32 s1, s0  }
0xbd: {  	s0 =	sadd.s32 $0x8F2B, s0  }
0xbe: {  	[sflag:s0] =	ssyncadd.remote.s32 $0x1  }
0xbf: {  	_ =	sfence.sel $0xFFFF  }
0xc0: {  	[dreg:$0x0] =	wrdreg $0xFFFFFFFF;
	(pc) =	sbr.abs _section_cstart, $3  }
0xc1: {  	[dreg:$0x1] =	wrdreg $0xFFFFFFFF  }
0xc2: {  	_ =	task.clear_ibuf [dreg:s7], $0x2FFFF;
	_ =	strace $0x9FFFFFFF  }
0xc3: {  	(tm) =	ssettm $0x7FFFFFFF  }
tec
execute0_lowered:
.L_overlay_start_1:
0x0: {  	(tag) =	ssettag $0x1  }
0x1: {  	s5 =	rddreg [dreg:$0x0]  }
0x2: {  	s4 =	rddreg [dreg:$0x1]  }
0x3: {  	s2 =	rddreg [dreg:$0x2]  }
0x4: {  	s0 =	rddreg [dreg:$0x3]  }
0x5: {  	s3 =	simm.s32 $0x0;
	s6 =	srdreg.scid;
	s1 =	stileid.u32  }
0x6: {  	s11 =	simm.s32 $0x50;
	s14 =	simm.s32 $0x20;
	s15 =	simm.s32 $0x10  }
0x7: {  	s16 =	simm.s32 $0x0;
	[smem:$0x7FF] =	sst s3;
	s7 =	smul.u32 $0x500, s1  }
0x8: {  	s6 =	sand.u32 $0x1, s6;
	s9 =	sshll.u32 s1, $0x1;
	s30 =	smul.u32 $0xA00, s1  }
0x9: {  	s12 =	sshll.u32 s1, $0x6;
	_ =	strace $0x80000047;
	s8 =	sshll.u32 s6, $0x7  }
0xa: {  	s29 =	sor.u32 s6, s9;
	s6 =	ssub.s32 $0x2, s6;
	s12 =	sor.u32 $0x1C01, s12  }
0xb: {  	s7 =	sor.u32 s8, s7;
	s8 =	smul.u32 $0xFA0, s29;
	s31 =	sshrl.u32 s6, $0x1  }
0xc: {  	s9 =	sshrl.u32 s30, $0x2;
	s7 =	sshrl.u32 s7, $0x3;
	s10 =	ssub.s32 s6, s31  }
0xd: {  	s7 =	sadd.s32 s7, s4;
	s4 =	sadd.s32 s9, s2;
	s5 =	sadd.s32 s5, s8  }
0xe: {  	s8 =	simm.s32 $0x7D80;
	s9 =	simm.s32 $0x1;
	s6 =	sadd.s32 $0x3400, s7  }
0xf: {  	v0 =	vimm.f32 $0.0e+00;
	v1 =	vimm.f32 $1.000000000e+00;
	s7 =	smax.u32 s10, $0x1;
	s10 =	simm.s32 $0x80;
	s13 =	sshrl.u32 s4, $0x3  }
.LBB2_1:
0x10: {  	[tilespmem:$0x7D80] =	vst v0  }
0x11: {  	[tilespmem:$0x7D90] =	vst v0  }
0x12: {  	[tilespmem:$0x7DA0] =	vst v0  }
0x13: {  	[tilespmem:$0x7DB0] =	vst v0  }
0x14: {  	[tilespmem:$0x7DC0] =	vst v0  }
0x15: {  	[tilespmem:$0x7DD0] =	vst v0  }
0x16: {  	[tilespmem:$0x7DE0] =	vst v0  }
0x17: {  	[tilespmem:$0x7DF0] =	vst v0  }
0x18: {  	[tilespmem:$0x7E00] =	vst v0  }
0x19: {  	[tilespmem:$0x7E10] =	vst v0  }
0x1a: {  	[tilespmem:$0x7E20] =	vst v0  }
0x1b: {  	[tilespmem:$0x7E30] =	vst v0  }
0x1c: {  	[tilespmem:$0x7E40] =	vst v0  }
0x1d: {  	[tilespmem:$0x7E50] =	vst v0  }
0x1e: {  	[tilespmem:$0x7E60] =	vst v0  }
0x1f: {  	[tilespmem:$0x7E70] =	vst v0  }
0x20: {  	[tilespmem:$0x7E80] =	vst v0  }
0x21: {  	[tilespmem:$0x7E90] =	vst v0  }
0x22: {  	[tilespmem:$0x7EA0] =	vst v0  }
0x23: {  	[tilespmem:$0x7EB0] =	vst v0  }
0x24: {  	[tilespmem:$0x7EC0] =	vst v0  }
0x25: {  	[tilespmem:$0x7ED0] =	vst v0  }
0x26: {  	[tilespmem:$0x7EE0] =	vst v0  }
0x27: {  	[tilespmem:$0x7EF0] =	vst v0  }
0x28: {  	[tilespmem:$0x7F00] =	vst v0  }
0x29: {  	[tilespmem:$0x7F10] =	vst v0  }
0x2a: {  	[tilespmem:$0x7F20] =	vst v0  }
0x2b: {  	[tilespmem:$0x7F30] =	vst v0  }
0x2c: {  	[tilespmem:$0x7F40] =	vst v0  }
0x2d: {  	[tilespmem:$0x7F50] =	vst v0  }
0x2e: {  	[tilespmem:$0x7F60] =	vst v0  }
0x2f: {  	[tilespmem:$0x7F70] =	vst v0  }
0x30: {  	[tilespmem:$0x7F80] =	vst v0  }
0x31: {  	[tilespmem:$0x7F90] =	vst v0  }
0x32: {  	[tilespmem:$0x7FA0] =	vst v0  }
0x33: {  	[tilespmem:$0x7FB0] =	vst v0  }
0x34: {  	[tilespmem:$0x7FC0] =	vst v0  }
0x35: {  	[tilespmem:$0x7FD0] =	vst v0  }
0x36: {  	[tilespmem:$0x7FE0] =	vst v0  }
0x37: {  	[tilespmem:$0x7FF0] =	vst v0  }
0x38: {  	[spmem:s4] =	stream.linear.scatter [tilespmem:s8], [sflag:$0x1], $0x280, $0x38;
	[tilespmem:$0x8280] =	vst v63  }
0x39: {  	_ =	swait.ge [sflag:s9], $0x280  }
0x3a: {  	[sflag:s9] =	ssyncset.done $0x0  }
0x3b: {  	[sflag:s9] =	ssyncadd.s32 $0xFFFFFD80  }
0x3c: {  	[tilespmem:$0x0] =	vst v1  }
0x3d: {  	[tilespmem:$0x10] =	vst v1  }
0x3e: {  	[tilespmem:$0x20] =	vst v1  }
0x3f: {  	[tilespmem:$0x30] =	vst v1  }
0x40: {  	[tilespmem:$0x40] =	vst v1  }
0x41: {  	[tilespmem:s10], [sflag:$0x1] =	stream.linear.gather [hbm4b:s5+s3], $0x7D00, $0x38;
	[tilespmem:$0x8280] =	vst v63  }
0x42: {  	_ =	swait.ge [sflag:s9], $0x7D00  }
0x43: {  	[sflag:s9] =	ssyncset.done $0x0  }
0x44: {  	[sflag:s9] =	ssyncadd.s32 $0xFFFF8300  }
0x45: {  	s17 =	simm.s32 $0x100;
	[bflag:$0x0] =	sbarrier.arrive $0xFFFF  }
0x46: {  	[spmem:s2] =	stream.indirect.scatter.add.f32 [tilespmem:s3], [sflag:$0x1], $0x1, s17, s11, $0xb8;
	[tilespmem:$0x8280] =	vst v63  }
0x47: {  	s17 =	simm.s32 $0x600;
	_ =	swait.ge [sflag:s9], $0x50  }
.LBB2_2:
0x48: {  	s18 =	sshra.s32 s17, $0x2;
	[sflag:s9] =	ssyncset.done $0x0;
	p0 =	sne.s32 s17, $0x1F200  }
.Ltmp0:
0x49: {  	s18 =	sadd.s32 $0x80, s18;
	[sflag:s9] =	ssyncadd.s32 $0xFFFFFFB0;
	(pc) =	sbr.rel @p0 .LBB2_2-.Ltmp0, $3  }
0x4a: {  	[spmem:s2] =	stream.indirect.scatter.add.f32 [tilespmem:s3], [sflag:$0x1], $0x1, s18, s11, $0xb8;
	[tilespmem:$0x8280] =	vst v63  }
0x4b: {  	s17 =	sadd.s32 $0x400, s17;
	_ =	sdelay $0x1  }
0x4c: {  	_ =	swait.ge [sflag:s9], $0x50  }
0x4d: {  	[sflag:s9] =	ssyncset.done $0x0;
	s16 =	sadd.s32 $0x1, s16  }
0x4e: {  	[sflag:s9] =	ssyncadd.s32 $0xFFFFFFB0;
	p0 =	sne.s32 s16, s7  }
.Ltmp1:
0x4f: {  	[bflag:$0x0] =	sbarrier.arrive $0xFFFF;
	(pc) =	sbr.rel @p0 .LBB2_1-.Ltmp1, $4  }
0x50: {  	[hbm:s6@s14], [sflag:s12] =	dma.strided [spmem:s13@s15], $0x50, s9, $0x10   }
0x51: {  	_ =	swait.ge [sflag:s9], $0x50  }
0x52: {  	[sflag:s9] =	ssyncset.done $0x0  }
0x53: {  	[sflag:s9] =	ssyncadd.s32 $0xFFFFFFB0  }
0x54: {  	_ =	sfence.sel $0x180000  }
0x55: {  	[bflag:$0x0] =	sbarrier.arrive $0xFFFF  }
0x56: {  	p0 =	sne.s32 s1, $0x0;
	_ =	strace $0x90000047  }
0x57: {  	s0 =	sadd.s32 @!p0 $0x100000, s0;
	[bflag:$0x2] =	sbarrier.arrive $0xFFFF  }
0x58: {  	[sflag:s0] =	ssyncadd.tile.s32 @!p0 $0x1;
	_ =	shalt  }
.Lfunc_end2:
_tile_overlayer_lowered:
.L_overlay_start_2:
0x59: {  	(tag) =	ssettag $0x2  }
0x5a: {  	s0 =	rddreg [dreg:$0x0];
	s2 =	stileid.u32  }
0x5b: {  	s1 =	rddreg [dreg:$0x1];
	p0 =	sne.s32 s2, $0x0  }
0x5c: {  	s3 =	rddreg [dreg:$0x2];
	[bflag:$0x3] =	sbarrier.arrive $0xFFFF;
	s2 =	simm.s32 @!p0 $0x1C01  }
0x5d: {  	[timem:s3], [sflag:s2] =	dma.local @!p0 [hbm:s0], s1  }
0x5e: {  	s0 =	simm.s32 @!p0 $0x1  }
0x5f: {  	_ =	swait.ge @!p0 [sflag:s0], s1  }
0x60: {  	s1 =	ssub.s32 @!p0 $0x0, s1;
	[sflag:s0] =	ssyncset.done @!p0 $0x0  }
0x61: {  	[sflag:s0] =	ssyncadd.s32 @!p0 s1  }
0x62: {  	[bflag:$0x3] =	sbarrier.arrive $0xFFFF  }
0x63: {  	_ =	shalt  }

</sc_bundles>
